<compile_context>
chip_gen: v7x
topology: tpu7x:2x2x1
jax: 0.10.2.dev20260603
libtpu: 0.0.44.dev20260713+nightly
codegen_flags: <defaults>
</compile_context>

<pallas_src>
import functools

import jax
import jax.numpy as jnp
from jax import lax
from jax.experimental import pallas as pl
from jax.experimental.pallas import tpu as pltpu
from jax.experimental.pallas import tpu_sc as plsc

TIME = 288
WEEK = 7
FEAT = 64
B = 64
N = 16384
K = TIME * WEEK
L = 16

NCORES = 2
NSUB = 16
NW = NCORES * NSUB
B_PER_W = B // NW
ROWS_PER_SUB = FEAT // NSUB
FT = 8
NCHUNK = 1024
NCH = N // NCHUNK
VPC = NCHUNK // L


def _body(tid_hbm, diw_hbm, td_hbm, tw_hbm, out_hbm,
          td_v, tw_v, tbl_tile, idx_v, tid_v, diw_v, out_v,
          sem0, sem1, tbl_sh):
    c = lax.axis_index("c")
    s = lax.axis_index("s")
    wid = s * NCORES + c

    pltpu.sync_copy(td_hbm, td_v)
    pltpu.sync_copy(tw_hbm, tw_v)

    lanes = lax.iota(jnp.int32, L)

    def build_chunk(ch, _):
        kv = ch * L + lanes
        iv = lax.div(kv, WEEK)
        jv = kv - iv * WEEK
        for r in range(ROWS_PER_SUB):
            f = s * ROWS_PER_SUB + r
            tdv = plsc.load_gather(td_v, [iv * FEAT + f])
            twv = plsc.load_gather(tw_v, [jv * FEAT + f])
            tbl_tile[pl.ds(r * K + ch * L, L)] = tdv + twv
        return 0

    lax.fori_loop(0, K // L, build_chunk, 0)
    pltpu.sync_copy(tbl_tile.at[pl.ds(0, ROWS_PER_SUB * K)],
                    tbl_sh.at[pl.ds(s * ROWS_PER_SUB * K, ROWS_PER_SUB * K)])
    plsc.subcore_barrier()

    for bi in range(B_PER_W):
        b = wid * B_PER_W + bi

        pltpu.sync_copy(tid_hbm.at[b], tid_v)
        pltpu.sync_copy(diw_hbm.at[b], diw_v)

        def idx_body(v, _):
            t = tid_v[pl.ds(v * L, L)]
            ti = jnp.clip((t * float(TIME)).astype(jnp.int32), 0, TIME - 1)
            wi = jnp.clip(diw_v[pl.ds(v * L, L)], 0, WEEK - 1)
            idx_v[pl.ds(v * L, L)] = ti * WEEK + wi
            return 0

        lax.fori_loop(0, N // L, idx_body, 0)

        def ft_body(ft, _):
            pltpu.sync_copy(tbl_sh.at[pl.ds(ft * FT * K, FT * K)], tbl_tile)

            def fill(buf, nch):
                base = nch * NCHUNK

                def v_body(v, _):
                    idxv = idx_v[pl.ds(base + v * L, L)]
                    for f8 in range(FT):
                        out_v[buf, f8, pl.ds(v * L, L)] = plsc.load_gather(
                            tbl_tile.at[pl.ds(f8 * K, K)], [idxv])
                    return 0

                lax.fori_loop(0, VPC, v_body, 0)

            def fire(buf, nch, sem):
                return pltpu.async_copy(
                    out_v.at[buf],
                    out_hbm.at[b, pl.ds(ft * FT, FT), pl.ds(nch * NCHUNK, NCHUNK)],
                    sem)

            def drain(sem):
                pltpu.make_async_copy(
                    out_v.at[0],
                    out_hbm.at[b, pl.ds(0, FT), pl.ds(0, NCHUNK)],
                    sem).wait()

            def chunk_body(t, _):
                @pl.when(t > 0)
                def _():
                    drain(sem0)
                fill(0, 2 * t)
                fire(0, 2 * t, sem0)

                @pl.when(t > 0)
                def _():
                    drain(sem1)
                fill(1, 2 * t + 1)
                fire(1, 2 * t + 1, sem1)
                return 0

            lax.fori_loop(0, NCH // 2, chunk_body, 0)
            drain(sem0)
            drain(sem1)
            return 0

        lax.fori_loop(0, FEAT // FT, ft_body, 0)


@jax.jit
def _run(tid_last, diw_last, time_day, time_week):
    mesh = plsc.VectorSubcoreMesh(core_axis_name="c", subcore_axis_name="s")
    f = pl.kernel(
        _body,
        out_type=jax.ShapeDtypeStruct((B, FEAT, N), jnp.float32),
        mesh=mesh,
        compiler_params=pltpu.CompilerParams(needs_layout_passes=False),
        scratch_types=[
            pltpu.VMEM((TIME * FEAT,), jnp.float32),
            pltpu.VMEM((WEEK * FEAT,), jnp.float32),
            pltpu.VMEM((FT * K,), jnp.float32),
            pltpu.VMEM((N,), jnp.int32),
            pltpu.VMEM((N,), jnp.float32),
            pltpu.VMEM((N,), jnp.int32),
            pltpu.VMEM((2, FT, NCHUNK), jnp.float32),
            pltpu.SemaphoreType.DMA,
            pltpu.SemaphoreType.DMA,
            pltpu.VMEM_SHARED((FEAT * K,), jnp.float32),
        ],
    )
    return f(tid_last, diw_last, time_day.reshape(-1), time_week.reshape(-1))


def kernel(x, tid_data, diw_data, time_day, time_week):
    del x
    tid_last = tid_data[:, -1, :]
    diw_last = diw_data[:, -1, :]
    return _run(tid_last, diw_last, time_day, time_week)

# --- scband reference (transcript-rebuilt; emitter-appended) ---
"""Pipeline reference for scband-temporal-embedding-62577673503652 (READ-ONLY COPY).

The authoritative reference and input builder live on the scoring server;
editing this copy changes nothing except your own understanding.
"""

import jax, jax.numpy as jnp
import numpy as np

TIME = 288
FEATURES = 64
B, T, N = 64, 12, 16384


def _xavier_uniform(key, shape):
    fan_in, fan_out = shape[0], shape[1]
    bound = float(np.sqrt(6.0 / (fan_in + fan_out)))
    return jax.random.uniform(key, shape, dtype=jnp.float32, minval=-bound, maxval=bound)


def setup_inputs(seed: int = 0) -> dict:
    key = jax.random.key(seed)
    k1, k2, k3, k4, k5 = jax.random.split(key, 5)
    x = jax.random.normal(k1, (B, T, N), dtype=jnp.float32)
    tid_data = jax.random.uniform(k2, (B, T, N), dtype=jnp.float32)
    diw_data = jax.random.randint(k3, (B, T, N), 0, 7, dtype=jnp.int32)
    time_day = _xavier_uniform(k4, (TIME, FEATURES))
    time_week = _xavier_uniform(k5, (7, FEATURES))
    return {"x": x, "tid_data": tid_data, "diw_data": diw_data,
            "time_day": time_day, "time_week": time_week}


def reference(x, tid_data, diw_data, time_day, time_week):
    # time-of-day embedding lookup
    time_indices = (tid_data[:, -1, :] * TIME).astype(jnp.int32)
    time_indices = jnp.clip(time_indices, 0, TIME - 1)
    td = jnp.take(time_day, time_indices, axis=0)          # [B, N, F]
    td = jnp.transpose(td, (0, 2, 1))[..., None]           # [B, F, N, 1]
    # day-of-week embedding lookup
    week_indices = jnp.clip(diw_data[:, -1, :].astype(jnp.int32), 0, 6)
    tw = jnp.take(time_week, week_indices, axis=0)         # [B, N, F]
    tw = jnp.transpose(tw, (0, 2, 1))[..., None]           # [B, F, N, 1]
    tem_emb = td + tw
    return tem_emb

if __name__ == "__main__":
    import jax
    _d = setup_inputs()
    print(jax.jit(kernel)(*tuple(_d.values())))

</pallas_src>

<mosaic_0001>
#map = affine_map<(d0, d1) -> (0, 0)>
#map1 = affine_map<(d0, d1) -> (0)>
#map2 = affine_map<(d0, d1) -> (0, 0, 0)>
module attributes {stable_mosaic.version = 14 : i64} {
  func.func @_body(%arg0: i32, %arg1: i32, %arg2: memref<64x16384xf32, #tpu.memory_space<hbm>>, %arg3: memref<64x16384xi32, #tpu.memory_space<hbm>>, %arg4: memref<18432xf32, #tpu.memory_space<hbm>>, %arg5: memref<448xf32, #tpu.memory_space<hbm>>, %arg6: memref<64x64x16384xf32, #tpu.memory_space<hbm>>, %arg7: memref<18432xf32, #tpu.memory_space<vmem>>, %arg8: memref<448xf32, #tpu.memory_space<vmem>>, %arg9: memref<16128xf32, #tpu.memory_space<vmem>>, %arg10: memref<16384xi32, #tpu.memory_space<vmem>>, %arg11: memref<16384xf32, #tpu.memory_space<vmem>>, %arg12: memref<16384xi32, #tpu.memory_space<vmem>>, %arg13: memref<2x8x1024xf32, #tpu.memory_space<vmem>>, %arg14: memref<!tpu.dma_semaphore, #tpu.memory_space<semaphore_mem>>, %arg15: memref<!tpu.dma_semaphore, #tpu.memory_space<semaphore_mem>>, %arg16: memref<129024xf32, #tpu.memory_space<vmem_shared>>) attributes {dimension_semantics = [#tpu.dimension_semantics<core_parallel>, #tpu.dimension_semantics<subcore_parallel>], iteration_bounds = array<i64: 2, 16>, scalar_prefetch = 0 : i64, scratch_operands = 10 : i64, tpu.core_type = #tpu.core_type<sc_vector_subcore>, window_params = [{transform_indices = #map}, {transform_indices = #map}, {transform_indices = #map1}, {transform_indices = #map1}, {transform_indices = #map2}]} {
    %mul3A = arith.constant 2 : i32
    %mul3A_0 = arith.muli %arg1, %mul3A : i32
    %add3A = arith.addi %mul3A_0, %arg0 : i32
    "tpu.region"() ({
      %run_scoped3A = tpu.sem_alloc : memref<!tpu.dma_semaphore, #tpu.memory_space<semaphore_mem>>
      tpu.enqueue_dma source(%arg4 : memref<18432xf32, #tpu.memory_space<hbm>>) target(%arg7 : memref<18432xf32, #tpu.memory_space<vmem>>) target_semaphore(%run_scoped3A : memref<!tpu.dma_semaphore, #tpu.memory_space<semaphore_mem>>)
      tpu.wait_dma2 semaphore(%run_scoped3A : memref<!tpu.dma_semaphore, #tpu.memory_space<semaphore_mem>>) src(%arg4 : memref<18432xf32, #tpu.memory_space<hbm>>) dst(%arg7 : memref<18432xf32, #tpu.memory_space<vmem>>)
      tpu.yield
    }) : () -> ()
    "tpu.region"() ({
      %run_scoped3A = tpu.sem_alloc : memref<!tpu.dma_semaphore, #tpu.memory_space<semaphore_mem>>
      tpu.enqueue_dma source(%arg5 : memref<448xf32, #tpu.memory_space<hbm>>) target(%arg8 : memref<448xf32, #tpu.memory_space<vmem>>) target_semaphore(%run_scoped3A : memref<!tpu.dma_semaphore, #tpu.memory_space<semaphore_mem>>)
      tpu.wait_dma2 semaphore(%run_scoped3A : memref<!tpu.dma_semaphore, #tpu.memory_space<semaphore_mem>>) src(%arg5 : memref<448xf32, #tpu.memory_space<hbm>>) dst(%arg8 : memref<448xf32, #tpu.memory_space<vmem>>)
      tpu.yield
    }) : () -> ()
    %iota3A = tpu.iota {dimensions = array<i32: 0>} : vector<16xi32>
    %scan3A = arith.constant 0 : i32
    %scan3A_1 = arith.constant 0 : i32
    %scan3A_2 = arith.constant 126 : i32
    %scan3A_3 = arith.addi %scan3A_1, %scan3A_2 : i32
    %scan3A_4 = arith.constant 1 : i32
    %scan3A_5 = scf.for %scan3A_47 = %scan3A_1 to %scan3A_3 step %scan3A_4 iter_args(%scan3A_48 = %scan3A) -> (i32)  : i32 {
      %mul3A_49 = arith.constant 16 : i32
      %mul3A_50 = arith.muli %scan3A_47, %mul3A_49 : i32
      %add3A_51 = vector.broadcast %mul3A_50 : i32 to vector<16xi32>
      %add3A_52 = arith.addi %add3A_51, %iota3A : vector<16xi32>
      %div3A = arith.constant 7 : i32
      %div3A_53 = vector.broadcast %div3A : i32 to vector<16xi32>
      %div3A_54 = arith.divsi %add3A_52, %div3A_53 : vector<16xi32>
      %mul3A_55 = arith.constant 7 : i32
      %mul3A_56 = vector.broadcast %mul3A_55 : i32 to vector<16xi32>
      %mul3A_57 = arith.muli %div3A_54, %mul3A_56 : vector<16xi32>
      %sub3A = arith.subi %add3A_52, %mul3A_57 : vector<16xi32>
      %mul3A_58 = arith.constant 4 : i32
      %mul3A_59 = arith.muli %arg1, %mul3A_58 : i32
      %add3A_60 = arith.constant 0 : i32
      %add3A_61 = arith.addi %mul3A_59, %add3A_60 : i32
      %mul3A_62 = arith.constant 64 : i32
      %mul3A_63 = vector.broadcast %mul3A_62 : i32 to vector<16xi32>
      %mul3A_64 = arith.muli %div3A_54, %mul3A_63 : vector<16xi32>
      %add3A_65 = vector.broadcast %add3A_61 : i32 to vector<16xi32>
      %add3A_66 = arith.addi %mul3A_64, %add3A_65 : vector<16xi32>
      %gather3A = tpu.vector_load_idx %arg7[%add3A_66] : memref<18432xf32, #tpu.memory_space<vmem>>[vector<16xi32>], vector<16xf32>,
      %mul3A_67 = arith.constant 64 : i32
      %mul3A_68 = vector.broadcast %mul3A_67 : i32 to vector<16xi32>
      %mul3A_69 = arith.muli %sub3A, %mul3A_68 : vector<16xi32>
      %add3A_70 = vector.broadcast %add3A_61 : i32 to vector<16xi32>
      %add3A_71 = arith.addi %mul3A_69, %add3A_70 : vector<16xi32>
      %gather3A_72 = tpu.vector_load_idx %arg8[%add3A_71] : memref<448xf32, #tpu.memory_space<vmem>>[vector<16xi32>], vector<16xf32>,
      %add3A_73 = arith.addf %gather3A, %gather3A_72 : vector<16xf32>
      %mul3A_74 = arith.constant 16 : i32
      %mul3A_75 = arith.muli %scan3A_47, %mul3A_74 : i32
      %add3A_76 = arith.constant 0 : i32
      %add3A_77 = arith.addi %add3A_76, %mul3A_75 : i32
      %swap3A = arith.index_cast %add3A_77 : i32 to index
      %swap3A_78 = tpu.vector_load %arg9[%swap3A] {strides = array<i32>} : memref<16128xf32, #tpu.memory_space<vmem>>, vector<16xf32>,
      tpu.vector_store %arg9[%swap3A], %add3A_73 {strides = array<i32>} : memref<16128xf32, #tpu.memory_space<vmem>>, vector<16xf32>,
      %mul3A_79 = arith.constant 4 : i32
      %mul3A_80 = arith.muli %arg1, %mul3A_79 : i32
      %add3A_81 = arith.constant 1 : i32
      %add3A_82 = arith.addi %mul3A_80, %add3A_81 : i32
      %mul3A_83 = arith.constant 64 : i32
      %mul3A_84 = vector.broadcast %mul3A_83 : i32 to vector<16xi32>
      %mul3A_85 = arith.muli %div3A_54, %mul3A_84 : vector<16xi32>
      %add3A_86 = vector.broadcast %add3A_82 : i32 to vector<16xi32>
      %add3A_87 = arith.addi %mul3A_85, %add3A_86 : vector<16xi32>
      %gather3A_88 = tpu.vector_load_idx %arg7[%add3A_87] : memref<18432xf32, #tpu.memory_space<vmem>>[vector<16xi32>], vector<16xf32>,
      %mul3A_89 = arith.constant 64 : i32
      %mul3A_90 = vector.broadcast %mul3A_89 : i32 to vector<16xi32>
      %mul3A_91 = arith.muli %sub3A, %mul3A_90 : vector<16xi32>
      %add3A_92 = vector.broadcast %add3A_82 : i32 to vector<16xi32>
      %add3A_93 = arith.addi %mul3A_91, %add3A_92 : vector<16xi32>
      %gather3A_94 = tpu.vector_load_idx %arg8[%add3A_93] : memref<448xf32, #tpu.memory_space<vmem>>[vector<16xi32>], vector<16xf32>,
      %add3A_95 = arith.addf %gather3A_88, %gather3A_94 : vector<16xf32>
      %mul3A_96 = arith.constant 16 : i32
      %mul3A_97 = arith.muli %scan3A_47, %mul3A_96 : i32
      %add3A_98 = arith.constant 2016 : i32
      %add3A_99 = arith.addi %add3A_98, %mul3A_97 : i32
      %swap3A_100 = arith.index_cast %add3A_99 : i32 to index
      %swap3A_101 = tpu.vector_load %arg9[%swap3A_100] {strides = array<i32>} : memref<16128xf32, #tpu.memory_space<vmem>>, vector<16xf32>,
      tpu.vector_store %arg9[%swap3A_100], %add3A_95 {strides = array<i32>} : memref<16128xf32, #tpu.memory_space<vmem>>, vector<16xf32>,
      %mul3A_102 = arith.constant 4 : i32
      %mul3A_103 = arith.muli %arg1, %mul3A_102 : i32
      %add3A_104 = arith.constant 2 : i32
      %add3A_105 = arith.addi %mul3A_103, %add3A_104 : i32
      %mul3A_106 = arith.constant 64 : i32
      %mul3A_107 = vector.broadcast %mul3A_106 : i32 to vector<16xi32>
      %mul3A_108 = arith.muli %div3A_54, %mul3A_107 : vector<16xi32>
      %add3A_109 = vector.broadcast %add3A_105 : i32 to vector<16xi32>
      %add3A_110 = arith.addi %mul3A_108, %add3A_109 : vector<16xi32>
      %gather3A_111 = tpu.vector_load_idx %arg7[%add3A_110] : memref<18432xf32, #tpu.memory_space<vmem>>[vector<16xi32>], vector<16xf32>,
      %mul3A_112 = arith.constant 64 : i32
      %mul3A_113 = vector.broadcast %mul3A_112 : i32 to vector<16xi32>
      %mul3A_114 = arith.muli %sub3A, %mul3A_113 : vector<16xi32>
      %add3A_115 = vector.broadcast %add3A_105 : i32 to vector<16xi32>
      %add3A_116 = arith.addi %mul3A_114, %add3A_115 : vector<16xi32>
      %gather3A_117 = tpu.vector_load_idx %arg8[%add3A_116] : memref<448xf32, #tpu.memory_space<vmem>>[vector<16xi32>], vector<16xf32>,
      %add3A_118 = arith.addf %gather3A_111, %gather3A_117 : vector<16xf32>
      %mul3A_119 = arith.constant 16 : i32
      %mul3A_120 = arith.muli %scan3A_47, %mul3A_119 : i32
      %add3A_121 = arith.constant 4032 : i32
      %add3A_122 = arith.addi %add3A_121, %mul3A_120 : i32
      %swap3A_123 = arith.index_cast %add3A_122 : i32 to index
      %swap3A_124 = tpu.vector_load %arg9[%swap3A_123] {strides = array<i32>} : memref<16128xf32, #tpu.memory_space<vmem>>, vector<16xf32>,
      tpu.vector_store %arg9[%swap3A_123], %add3A_118 {strides = array<i32>} : memref<16128xf32, #tpu.memory_space<vmem>>, vector<16xf32>,
      %mul3A_125 = arith.constant 4 : i32
      %mul3A_126 = arith.muli %arg1, %mul3A_125 : i32
      %add3A_127 = arith.constant 3 : i32
      %add3A_128 = arith.addi %mul3A_126, %add3A_127 : i32
      %mul3A_129 = arith.constant 64 : i32
      %mul3A_130 = vector.broadcast %mul3A_129 : i32 to vector<16xi32>
      %mul3A_131 = arith.muli %div3A_54, %mul3A_130 : vector<16xi32>
      %add3A_132 = vector.broadcast %add3A_128 : i32 to vector<16xi32>
      %add3A_133 = arith.addi %mul3A_131, %add3A_132 : vector<16xi32>
      %gather3A_134 = tpu.vector_load_idx %arg7[%add3A_133] : memref<18432xf32, #tpu.memory_space<vmem>>[vector<16xi32>], vector<16xf32>,
      %mul3A_135 = arith.constant 64 : i32
      %mul3A_136 = vector.broadcast %mul3A_135 : i32 to vector<16xi32>
      %mul3A_137 = arith.muli %sub3A, %mul3A_136 : vector<16xi32>
      %add3A_138 = vector.broadcast %add3A_128 : i32 to vector<16xi32>
      %add3A_139 = arith.addi %mul3A_137, %add3A_138 : vector<16xi32>
      %gather3A_140 = tpu.vector_load_idx %arg8[%add3A_139] : memref<448xf32, #tpu.memory_space<vmem>>[vector<16xi32>], vector<16xf32>,
      %add3A_141 = arith.addf %gather3A_134, %gather3A_140 : vector<16xf32>
      %mul3A_142 = arith.constant 16 : i32
      %mul3A_143 = arith.muli %scan3A_47, %mul3A_142 : i32
      %add3A_144 = arith.constant 6048 : i32
      %add3A_145 = arith.addi %add3A_144, %mul3A_143 : i32
      %swap3A_146 = arith.index_cast %add3A_145 : i32 to index
      %swap3A_147 = tpu.vector_load %arg9[%swap3A_146] {strides = array<i32>} : memref<16128xf32, #tpu.memory_space<vmem>>, vector<16xf32>,
      tpu.vector_store %arg9[%swap3A_146], %add3A_141 {strides = array<i32>} : memref<16128xf32, #tpu.memory_space<vmem>>, vector<16xf32>,
      %scan3A_148 = arith.constant 0 : i32
      scf.yield %scan3A_148 : i32
    }
    %scan3A_6 = arith.constant 126 : i32
    %mul3A_7 = arith.constant 4 : i32
    %mul3A_8 = arith.muli %arg1, %mul3A_7 : i32
    %mul3A_9 = arith.constant 2016 : i32
    %mul3A_10 = arith.muli %mul3A_8, %mul3A_9 : i32
    "tpu.region"() ({
      %run_scoped3A = tpu.sem_alloc : memref<!tpu.dma_semaphore, #tpu.memory_space<semaphore_mem>>
      %dma_start3A = arith.constant 0 : i32
      %dma_start3A_47 = tpu.memref_slice %arg9[%dma_start3A] : memref<16128xf32, #tpu.memory_space<vmem>> -> memref<8064xf32, #tpu.memory_space<vmem>>
      %dma_start3A_48 = tpu.memref_slice %arg16[%mul3A_10] : memref<129024xf32, #tpu.memory_space<vmem_shared>> -> memref<8064xf32, #tpu.memory_space<vmem_shared>>
      %dma_start3A_49 = tpu.memref_slice %arg16[%mul3A_10] : memref<129024xf32, #tpu.memory_space<vmem_shared>> -> memref<8064xf32, #tpu.memory_space<vmem_shared>>
      %dma_start3A_50 = arith.constant 0 : i32
      %dma_start3A_51 = tpu.memref_slice %arg9[%dma_start3A_50] : memref<16128xf32, #tpu.memory_space<vmem>> -> memref<8064xf32, #tpu.memory_space<vmem>>
      tpu.enqueue_dma source(%dma_start3A_51 : memref<8064xf32, #tpu.memory_space<vmem>>) target(%dma_start3A_49 : memref<8064xf32, #tpu.memory_space<vmem_shared>>) target_semaphore(%run_scoped3A : memref<!tpu.dma_semaphore, #tpu.memory_space<semaphore_mem>>)
      %dma_wait3A = arith.constant 0 : i32
      %dma_wait3A_52 = tpu.memref_slice %arg9[%dma_wait3A] : memref<16128xf32, #tpu.memory_space<vmem>> -> memref<8064xf32, #tpu.memory_space<vmem>>
      %dma_wait3A_53 = tpu.memref_slice %arg16[%mul3A_10] : memref<129024xf32, #tpu.memory_space<vmem_shared>> -> memref<8064xf32, #tpu.memory_space<vmem_shared>>
      %dma_wait3A_54 = tpu.memref_slice %arg16[%mul3A_10] : memref<129024xf32, #tpu.memory_space<vmem_shared>> -> memref<8064xf32, #tpu.memory_space<vmem_shared>>
      %dma_wait3A_55 = arith.constant 0 : i32
      %dma_wait3A_56 = tpu.memref_slice %arg9[%dma_wait3A_55] : memref<16128xf32, #tpu.memory_space<vmem>> -> memref<8064xf32, #tpu.memory_space<vmem>>
      tpu.wait_dma2 semaphore(%run_scoped3A : memref<!tpu.dma_semaphore, #tpu.memory_space<semaphore_mem>>) src(%dma_wait3A_56 : memref<8064xf32, #tpu.memory_space<vmem>>) dst(%dma_wait3A_54 : memref<8064xf32, #tpu.memory_space<vmem_shared>>)
      tpu.yield
    }) : () -> ()
    %barrier3A = arith.constant 0 : index
    tpu.barrier barrier_id(%barrier3A)
    %mul3A_11 = arith.constant 2 : i32
    %mul3A_12 = arith.muli %add3A, %mul3A_11 : i32
    %add3A_13 = arith.constant 0 : i32
    %add3A_14 = arith.addi %mul3A_12, %add3A_13 : i32
    "tpu.region"() ({
      %run_scoped3A = tpu.sem_alloc : memref<!tpu.dma_semaphore, #tpu.memory_space<semaphore_mem>>
      %dma_start3A = arith.constant 0 : i32
      %dma_start3A_47 = tpu.memref_slice %arg2[%add3A_14, %dma_start3A] : memref<64x16384xf32, #tpu.memory_space<hbm>> -> memref<1x16384xf32, #tpu.memory_space<hbm>>
      %dma_start3A_48 = tpu.memref_squeeze %dma_start3A_47 : memref<1x16384xf32, #tpu.memory_space<hbm>> -> memref<16384xf32, #tpu.memory_space<hbm>>
      %dma_start3A_49 = arith.constant 0 : i32
      %dma_start3A_50 = tpu.memref_slice %arg2[%add3A_14, %dma_start3A_49] : memref<64x16384xf32, #tpu.memory_space<hbm>> -> memref<1x16384xf32, #tpu.memory_space<hbm>>
      %dma_start3A_51 = tpu.memref_squeeze %dma_start3A_50 : memref<1x16384xf32, #tpu.memory_space<hbm>> -> memref<16384xf32, #tpu.memory_space<hbm>>
      tpu.enqueue_dma source(%dma_start3A_51 : memref<16384xf32, #tpu.memory_space<hbm>>) target(%arg11 : memref<16384xf32, #tpu.memory_space<vmem>>) target_semaphore(%run_scoped3A : memref<!tpu.dma_semaphore, #tpu.memory_space<semaphore_mem>>)
      %dma_wait3A = arith.constant 0 : i32
      %dma_wait3A_52 = tpu.memref_slice %arg2[%add3A_14, %dma_wait3A] : memref<64x16384xf32, #tpu.memory_space<hbm>> -> memref<1x16384xf32, #tpu.memory_space<hbm>>
      %dma_wait3A_53 = tpu.memref_squeeze %dma_wait3A_52 : memref<1x16384xf32, #tpu.memory_space<hbm>> -> memref<16384xf32, #tpu.memory_space<hbm>>
      %dma_wait3A_54 = arith.constant 0 : i32
      %dma_wait3A_55 = tpu.memref_slice %arg2[%add3A_14, %dma_wait3A_54] : memref<64x16384xf32, #tpu.memory_space<hbm>> -> memref<1x16384xf32, #tpu.memory_space<hbm>>
      %dma_wait3A_56 = tpu.memref_squeeze %dma_wait3A_55 : memref<1x16384xf32, #tpu.memory_space<hbm>> -> memref<16384xf32, #tpu.memory_space<hbm>>
      tpu.wait_dma2 semaphore(%run_scoped3A : memref<!tpu.dma_semaphore, #tpu.memory_space<semaphore_mem>>) src(%dma_wait3A_56 : memref<16384xf32, #tpu.memory_space<hbm>>) dst(%arg11 : memref<16384xf32, #tpu.memory_space<vmem>>)
      tpu.yield
    }) : () -> ()
    "tpu.region"() ({
      %run_scoped3A = tpu.sem_alloc : memref<!tpu.dma_semaphore, #tpu.memory_space<semaphore_mem>>
      %dma_start3A = arith.constant 0 : i32
      %dma_start3A_47 = tpu.memref_slice %arg3[%add3A_14, %dma_start3A] : memref<64x16384xi32, #tpu.memory_space<hbm>> -> memref<1x16384xi32, #tpu.memory_space<hbm>>
      %dma_start3A_48 = tpu.memref_squeeze %dma_start3A_47 : memref<1x16384xi32, #tpu.memory_space<hbm>> -> memref<16384xi32, #tpu.memory_space<hbm>>
      %dma_start3A_49 = arith.constant 0 : i32
      %dma_start3A_50 = tpu.memref_slice %arg3[%add3A_14, %dma_start3A_49] : memref<64x16384xi32, #tpu.memory_space<hbm>> -> memref<1x16384xi32, #tpu.memory_space<hbm>>
      %dma_start3A_51 = tpu.memref_squeeze %dma_start3A_50 : memref<1x16384xi32, #tpu.memory_space<hbm>> -> memref<16384xi32, #tpu.memory_space<hbm>>
      tpu.enqueue_dma source(%dma_start3A_51 : memref<16384xi32, #tpu.memory_space<hbm>>) target(%arg12 : memref<16384xi32, #tpu.memory_space<vmem>>) target_semaphore(%run_scoped3A : memref<!tpu.dma_semaphore, #tpu.memory_space<semaphore_mem>>)
      %dma_wait3A = arith.constant 0 : i32
      %dma_wait3A_52 = tpu.memref_slice %arg3[%add3A_14, %dma_wait3A] : memref<64x16384xi32, #tpu.memory_space<hbm>> -> memref<1x16384xi32, #tpu.memory_space<hbm>>
      %dma_wait3A_53 = tpu.memref_squeeze %dma_wait3A_52 : memref<1x16384xi32, #tpu.memory_space<hbm>> -> memref<16384xi32, #tpu.memory_space<hbm>>
      %dma_wait3A_54 = arith.constant 0 : i32
      %dma_wait3A_55 = tpu.memref_slice %arg3[%add3A_14, %dma_wait3A_54] : memref<64x16384xi32, #tpu.memory_space<hbm>> -> memref<1x16384xi32, #tpu.memory_space<hbm>>
      %dma_wait3A_56 = tpu.memref_squeeze %dma_wait3A_55 : memref<1x16384xi32, #tpu.memory_space<hbm>> -> memref<16384xi32, #tpu.memory_space<hbm>>
      tpu.wait_dma2 semaphore(%run_scoped3A : memref<!tpu.dma_semaphore, #tpu.memory_space<semaphore_mem>>) src(%dma_wait3A_56 : memref<16384xi32, #tpu.memory_space<hbm>>) dst(%arg12 : memref<16384xi32, #tpu.memory_space<vmem>>)
      tpu.yield
    }) : () -> ()
    %scan3A_15 = arith.constant 0 : i32
    %scan3A_16 = arith.constant 0 : i32
    %scan3A_17 = arith.constant 1024 : i32
    %scan3A_18 = arith.addi %scan3A_16, %scan3A_17 : i32
    %scan3A_19 = arith.constant 1 : i32
    %scan3A_20 = scf.for %scan3A_47 = %scan3A_16 to %scan3A_18 step %scan3A_19 iter_args(%scan3A_48 = %scan3A_15) -> (i32)  : i32 {
      %mul3A_49 = arith.constant 16 : i32
      %mul3A_50 = arith.muli %scan3A_47, %mul3A_49 : i32
      %get3A = arith.index_cast %mul3A_50 : i32 to index
      %get3A_51 = tpu.vector_load %arg11[%get3A] {strides = array<i32>} : memref<16384xf32, #tpu.memory_space<vmem>>, vector<16xf32>,
      %mul3A_52 = arith.constant 2.880000e+02 : f32
      %mul3A_53 = vector.broadcast %mul3A_52 : f32 to vector<16xf32>
      %mul3A_54 = arith.mulf %get3A_51, %mul3A_53 : vector<16xf32>
      %convert_element_type3A = arith.fptosi %mul3A_54 : vector<16xf32> to vector<16xi32>
      %jit3A = arith.constant 0 : i32
      %jit3A_55 = arith.constant 287 : i32
      %max3A = vector.broadcast %jit3A : i32 to vector<16xi32>
      %max3A_56 = arith.maxsi %max3A, %convert_element_type3A : vector<16xi32>
      %min3A = vector.broadcast %jit3A_55 : i32 to vector<16xi32>
      %min3A_57 = arith.minsi %min3A, %max3A_56 : vector<16xi32>
      %mul3A_58 = arith.constant 16 : i32
      %mul3A_59 = arith.muli %scan3A_47, %mul3A_58 : i32
      %get3A_60 = arith.index_cast %mul3A_59 : i32 to index
      %get3A_61 = tpu.vector_load %arg12[%get3A_60] {strides = array<i32>} : memref<16384xi32, #tpu.memory_space<vmem>>, vector<16xi32>,
      %jit3A_62 = arith.constant 0 : i32
      %jit3A_63 = arith.constant 6 : i32
      %max3A_64 = vector.broadcast %jit3A_62 : i32 to vector<16xi32>
      %max3A_65 = arith.maxsi %max3A_64, %get3A_61 : vector<16xi32>
      %min3A_66 = vector.broadcast %jit3A_63 : i32 to vector<16xi32>
      %min3A_67 = arith.minsi %min3A_66, %max3A_65 : vector<16xi32>
      %mul3A_68 = arith.constant 7 : i32
      %mul3A_69 = vector.broadcast %mul3A_68 : i32 to vector<16xi32>
      %mul3A_70 = arith.muli %min3A_57, %mul3A_69 : vector<16xi32>
      %add3A_71 = arith.addi %mul3A_70, %min3A_67 : vector<16xi32>
      %mul3A_72 = arith.constant 16 : i32
      %mul3A_73 = arith.muli %scan3A_47, %mul3A_72 : i32
      %swap3A = arith.index_cast %mul3A_73 : i32 to index
      %swap3A_74 = tpu.vector_load %arg10[%swap3A] {strides = array<i32>} : memref<16384xi32, #tpu.memory_space<vmem>>, vector<16xi32>,
      tpu.vector_store %arg10[%swap3A], %add3A_71 {strides = array<i32>} : memref<16384xi32, #tpu.memory_space<vmem>>, vector<16xi32>,
      %scan3A_75 = arith.constant 0 : i32
      scf.yield %scan3A_75 : i32
    }
    %scan3A_21 = arith.constant 1024 : i32
    %scan3A_22 = arith.constant 0 : i32
    %scan3A_23 = arith.constant 0 : i32
    %scan3A_24 = arith.constant 8 : i32
    %scan3A_25 = arith.addi %scan3A_23, %scan3A_24 : i32
    %scan3A_26 = arith.constant 1 : i32
    %scan3A_27 = scf.for %scan3A_47 = %scan3A_23 to %scan3A_25 step %scan3A_26 iter_args(%scan3A_48 = %scan3A_22) -> (i32)  : i32 {
      %mul3A_49 = arith.constant 8 : i32
      %mul3A_50 = arith.muli %scan3A_47, %mul3A_49 : i32
      %mul3A_51 = arith.constant 2016 : i32
      %mul3A_52 = arith.muli %mul3A_50, %mul3A_51 : i32
      "tpu.region"() ({
        %run_scoped3A = tpu.sem_alloc : memref<!tpu.dma_semaphore, #tpu.memory_space<semaphore_mem>>
        %dma_start3A = tpu.memref_slice %arg16[%mul3A_52] : memref<129024xf32, #tpu.memory_space<vmem_shared>> -> memref<16128xf32, #tpu.memory_space<vmem_shared>>
        %dma_start3A_94 = tpu.memref_slice %arg16[%mul3A_52] : memref<129024xf32, #tpu.memory_space<vmem_shared>> -> memref<16128xf32, #tpu.memory_space<vmem_shared>>
        tpu.enqueue_dma source(%dma_start3A_94 : memref<16128xf32, #tpu.memory_space<vmem_shared>>) target(%arg9 : memref<16128xf32, #tpu.memory_space<vmem>>) target_semaphore(%run_scoped3A : memref<!tpu.dma_semaphore, #tpu.memory_space<semaphore_mem>>)
        %dma_wait3A_95 = tpu.memref_slice %arg16[%mul3A_52] : memref<129024xf32, #tpu.memory_space<vmem_shared>> -> memref<16128xf32, #tpu.memory_space<vmem_shared>>
        %dma_wait3A_96 = tpu.memref_slice %arg16[%mul3A_52] : memref<129024xf32, #tpu.memory_space<vmem_shared>> -> memref<16128xf32, #tpu.memory_space<vmem_shared>>
        tpu.wait_dma2 semaphore(%run_scoped3A : memref<!tpu.dma_semaphore, #tpu.memory_space<semaphore_mem>>) src(%dma_wait3A_96 : memref<16128xf32, #tpu.memory_space<vmem_shared>>) dst(%arg9 : memref<16128xf32, #tpu.memory_space<vmem>>)
        tpu.yield
      }) : () -> ()
      %scan3A_53 = arith.constant 0 : i32
      %scan3A_54 = arith.constant 0 : i32
      %scan3A_55 = arith.constant 8 : i32
      %scan3A_56 = arith.addi %scan3A_54, %scan3A_55 : i32
      %scan3A_57 = arith.constant 1 : i32
      %scan3A_58 = scf.for %scan3A_94 = %scan3A_54 to %scan3A_56 step %scan3A_57 iter_args(%scan3A_95 = %scan3A_53) -> (i32)  : i32 {
        %gt3A = arith.constant 0 : i32
        %gt3A_96 = arith.cmpi sgt, %scan3A_94, %gt3A : i32
        %convert_element_type3A = arith.extui %gt3A_96 : i1 to i32
        %cond3A = arith.constant 0 : i32
        %cond3A_97 = arith.cmpi ne, %convert_element_type3A, %cond3A : i32
        scf.if %cond3A_97 {
          %dma_wait3A_167 = arith.constant 0 : i32
          %dma_wait3A_168 = arith.constant 0 : i32
          %dma_wait3A_169 = arith.constant 0 : i32
          %dma_wait3A_170 = tpu.memref_slice %arg13[%dma_wait3A_167, %dma_wait3A_168, %dma_wait3A_169] : memref<2x8x1024xf32, #tpu.memory_space<vmem>> -> memref<1x8x1024xf32, #tpu.memory_space<vmem>>
          %dma_wait3A_171 = tpu.memref_squeeze %dma_wait3A_170 : memref<1x8x1024xf32, #tpu.memory_space<vmem>> -> memref<8x1024xf32, #tpu.memory_space<vmem>>
          %dma_wait3A_172 = arith.constant 0 : i32
          %dma_wait3A_173 = arith.constant 0 : i32
          %dma_wait3A_174 = tpu.memref_slice %arg6[%add3A_14, %dma_wait3A_172, %dma_wait3A_173] : memref<64x64x16384xf32, #tpu.memory_space<hbm>> -> memref<1x8x1024xf32, #tpu.memory_space<hbm>>
          %dma_wait3A_175 = tpu.memref_squeeze %dma_wait3A_174 : memref<1x8x1024xf32, #tpu.memory_space<hbm>> -> memref<8x1024xf32, #tpu.memory_space<hbm>>
          %dma_wait3A_176 = arith.constant 0 : i32
          %dma_wait3A_177 = arith.constant 0 : i32
          %dma_wait3A_178 = tpu.memref_slice %arg6[%add3A_14, %dma_wait3A_176, %dma_wait3A_177] : memref<64x64x16384xf32, #tpu.memory_space<hbm>> -> memref<1x8x1024xf32, #tpu.memory_space<hbm>>
          %dma_wait3A_179 = tpu.memref_squeeze %dma_wait3A_178 : memref<1x8x1024xf32, #tpu.memory_space<hbm>> -> memref<8x1024xf32, #tpu.memory_space<hbm>>
          %dma_wait3A_180 = arith.constant 0 : i32
          %dma_wait3A_181 = arith.constant 0 : i32
          %dma_wait3A_182 = tpu.memref_slice %arg13[%dma_wait3A_167, %dma_wait3A_180, %dma_wait3A_181] : memref<2x8x1024xf32, #tpu.memory_space<vmem>> -> memref<1x8x1024xf32, #tpu.memory_space<vmem>>
          %dma_wait3A_183 = tpu.memref_squeeze %dma_wait3A_182 : memref<1x8x1024xf32, #tpu.memory_space<vmem>> -> memref<8x1024xf32, #tpu.memory_space<vmem>>
          tpu.wait_dma2 semaphore(%arg14 : memref<!tpu.dma_semaphore, #tpu.memory_space<semaphore_mem>>) src(%dma_wait3A_183 : memref<8x1024xf32, #tpu.memory_space<vmem>>) dst(%dma_wait3A_179 : memref<8x1024xf32, #tpu.memory_space<hbm>>)
        } else {
        }
        %mul3A_98 = arith.constant 2 : i32
        %mul3A_99 = arith.muli %mul3A_98, %scan3A_94 : i32
        %mul3A_100 = arith.constant 1024 : i32
        %mul3A_101 = arith.muli %mul3A_99, %mul3A_100 : i32
        %scan3A_102 = arith.constant 0 : i32
        %scan3A_103 = arith.constant 0 : i32
        %scan3A_104 = arith.constant 64 : i32
        %scan3A_105 = arith.addi %scan3A_103, %scan3A_104 : i32
        %scan3A_106 = arith.constant 1 : i32
        %scan3A_107 = scf.for %scan3A_167 = %scan3A_103 to %scan3A_105 step %scan3A_106 iter_args(%scan3A_168 = %scan3A_102) -> (i32)  : i32 {
          %mul3A_169 = arith.constant 16 : i32
          %mul3A_170 = arith.muli %scan3A_167, %mul3A_169 : i32
          %add3A_171 = arith.addi %mul3A_101, %mul3A_170 : i32
          %get3A = arith.index_cast %add3A_171 : i32 to index
          %get3A_172 = tpu.vector_load %arg10[%get3A] {strides = array<i32>} : memref<16384xi32, #tpu.memory_space<vmem>>, vector<16xi32>,
          %gather3A = arith.constant 0 : i32
          %gather3A_173 = tpu.memref_slice %arg9[%gather3A] : memref<16128xf32, #tpu.memory_space<vmem>> -> memref<2016xf32, #tpu.memory_space<vmem>>
          %gather3A_174 = tpu.vector_load_idx %gather3A_173[%get3A_172] : memref<2016xf32, #tpu.memory_space<vmem>>[vector<16xi32>], vector<16xf32>,
          %mul3A_175 = arith.constant 16 : i32
          %mul3A_176 = arith.muli %scan3A_167, %mul3A_175 : i32
          %swap3A = arith.constant 0 : i32
          %swap3A_177 = arith.constant 0 : i32
          %swap3A_178 = arith.index_cast %swap3A : i32 to index
          %swap3A_179 = arith.index_cast %swap3A_177 : i32 to index
          %swap3A_180 = arith.index_cast %mul3A_176 : i32 to index
          %swap3A_181 = tpu.vector_load %arg13[%swap3A_178, %swap3A_179, %swap3A_180] {strides = array<i32>} : memref<2x8x1024xf32, #tpu.memory_space<vmem>>, vector<16xf32>,
          tpu.vector_store %arg13[%swap3A_178, %swap3A_179, %swap3A_180], %gather3A_174 {strides = array<i32>} : memref<2x8x1024xf32, #tpu.memory_space<vmem>>, vector<16xf32>,
          %gather3A_182 = arith.constant 2016 : i32
          %gather3A_183 = tpu.memref_slice %arg9[%gather3A_182] : memref<16128xf32, #tpu.memory_space<vmem>> -> memref<2016xf32, #tpu.memory_space<vmem>>
          %gather3A_184 = tpu.vector_load_idx %gather3A_183[%get3A_172] : memref<2016xf32, #tpu.memory_space<vmem>>[vector<16xi32>], vector<16xf32>,
          %mul3A_185 = arith.constant 16 : i32
          %mul3A_186 = arith.muli %scan3A_167, %mul3A_185 : i32
          %swap3A_187 = arith.constant 0 : i32
          %swap3A_188 = arith.constant 1 : i32
          %swap3A_189 = arith.index_cast %swap3A_187 : i32 to index
          %swap3A_190 = arith.index_cast %swap3A_188 : i32 to index
          %swap3A_191 = arith.index_cast %mul3A_186 : i32 to index
          %swap3A_192 = tpu.vector_load %arg13[%swap3A_189, %swap3A_190, %swap3A_191] {strides = array<i32>} : memref<2x8x1024xf32, #tpu.memory_space<vmem>>, vector<16xf32>,
          tpu.vector_store %arg13[%swap3A_189, %swap3A_190, %swap3A_191], %gather3A_184 {strides = array<i32>} : memref<2x8x1024xf32, #tpu.memory_space<vmem>>, vector<16xf32>,
          %gather3A_193 = arith.constant 4032 : i32
          %gather3A_194 = tpu.memref_slice %arg9[%gather3A_193] : memref<16128xf32, #tpu.memory_space<vmem>> -> memref<2016xf32, #tpu.memory_space<vmem>>
          %gather3A_195 = tpu.vector_load_idx %gather3A_194[%get3A_172] : memref<2016xf32, #tpu.memory_space<vmem>>[vector<16xi32>], vector<16xf32>,
          %mul3A_196 = arith.constant 16 : i32
          %mul3A_197 = arith.muli %scan3A_167, %mul3A_196 : i32
          %swap3A_198 = arith.constant 0 : i32
          %swap3A_199 = arith.constant 2 : i32
          %swap3A_200 = arith.index_cast %swap3A_198 : i32 to index
          %swap3A_201 = arith.index_cast %swap3A_199 : i32 to index
          %swap3A_202 = arith.index_cast %mul3A_197 : i32 to index
          %swap3A_203 = tpu.vector_load %arg13[%swap3A_200, %swap3A_201, %swap3A_202] {strides = array<i32>} : memref<2x8x1024xf32, #tpu.memory_space<vmem>>, vector<16xf32>,
          tpu.vector_store %arg13[%swap3A_200, %swap3A_201, %swap3A_202], %gather3A_195 {strides = array<i32>} : memref<2x8x1024xf32, #tpu.memory_space<vmem>>, vector<16xf32>,
          %gather3A_204 = arith.constant 6048 : i32
          %gather3A_205 = tpu.memref_slice %arg9[%gather3A_204] : memref<16128xf32, #tpu.memory_space<vmem>> -> memref<2016xf32, #tpu.memory_space<vmem>>
          %gather3A_206 = tpu.vector_load_idx %gather3A_205[%get3A_172] : memref<2016xf32, #tpu.memory_space<vmem>>[vector<16xi32>], vector<16xf32>,
          %mul3A_207 = arith.constant 16 : i32
          %mul3A_208 = arith.muli %scan3A_167, %mul3A_207 : i32
          %swap3A_209 = arith.constant 0 : i32
          %swap3A_210 = arith.constant 3 : i32
          %swap3A_211 = arith.index_cast %swap3A_209 : i32 to index
          %swap3A_212 = arith.index_cast %swap3A_210 : i32 to index
          %swap3A_213 = arith.index_cast %mul3A_208 : i32 to index
          %swap3A_214 = tpu.vector_load %arg13[%swap3A_211, %swap3A_212, %swap3A_213] {strides = array<i32>} : memref<2x8x1024xf32, #tpu.memory_space<vmem>>, vector<16xf32>,
          tpu.vector_store %arg13[%swap3A_211, %swap3A_212, %swap3A_213], %gather3A_206 {strides = array<i32>} : memref<2x8x1024xf32, #tpu.memory_space<vmem>>, vector<16xf32>,
          %gather3A_215 = arith.constant 8064 : i32
          %gather3A_216 = tpu.memref_slice %arg9[%gather3A_215] : memref<16128xf32, #tpu.memory_space<vmem>> -> memref<2016xf32, #tpu.memory_space<vmem>>
          %gather3A_217 = tpu.vector_load_idx %gather3A_216[%get3A_172] : memref<2016xf32, #tpu.memory_space<vmem>>[vector<16xi32>], vector<16xf32>,
          %mul3A_218 = arith.constant 16 : i32
          %mul3A_219 = arith.muli %scan3A_167, %mul3A_218 : i32
          %swap3A_220 = arith.constant 0 : i32
          %swap3A_221 = arith.constant 4 : i32
          %swap3A_222 = arith.index_cast %swap3A_220 : i32 to index
          %swap3A_223 = arith.index_cast %swap3A_221 : i32 to index
          %swap3A_224 = arith.index_cast %mul3A_219 : i32 to index
          %swap3A_225 = tpu.vector_load %arg13[%swap3A_222, %swap3A_223, %swap3A_224] {strides = array<i32>} : memref<2x8x1024xf32, #tpu.memory_space<vmem>>, vector<16xf32>,
          tpu.vector_store %arg13[%swap3A_222, %swap3A_223, %swap3A_224], %gather3A_217 {strides = array<i32>} : memref<2x8x1024xf32, #tpu.memory_space<vmem>>, vector<16xf32>,
          %gather3A_226 = arith.constant 10080 : i32
          %gather3A_227 = tpu.memref_slice %arg9[%gather3A_226] : memref<16128xf32, #tpu.memory_space<vmem>> -> memref<2016xf32, #tpu.memory_space<vmem>>
          %gather3A_228 = tpu.vector_load_idx %gather3A_227[%get3A_172] : memref<2016xf32, #tpu.memory_space<vmem>>[vector<16xi32>], vector<16xf32>,
          %mul3A_229 = arith.constant 16 : i32
          %mul3A_230 = arith.muli %scan3A_167, %mul3A_229 : i32
          %swap3A_231 = arith.constant 0 : i32
          %swap3A_232 = arith.constant 5 : i32
          %swap3A_233 = arith.index_cast %swap3A_231 : i32 to index
          %swap3A_234 = arith.index_cast %swap3A_232 : i32 to index
          %swap3A_235 = arith.index_cast %mul3A_230 : i32 to index
          %swap3A_236 = tpu.vector_load %arg13[%swap3A_233, %swap3A_234, %swap3A_235] {strides = array<i32>} : memref<2x8x1024xf32, #tpu.memory_space<vmem>>, vector<16xf32>,
          tpu.vector_store %arg13[%swap3A_233, %swap3A_234, %swap3A_235], %gather3A_228 {strides = array<i32>} : memref<2x8x1024xf32, #tpu.memory_space<vmem>>, vector<16xf32>,
          %gather3A_237 = arith.constant 12096 : i32
          %gather3A_238 = tpu.memref_slice %arg9[%gather3A_237] : memref<16128xf32, #tpu.memory_space<vmem>> -> memref<2016xf32, #tpu.memory_space<vmem>>
          %gather3A_239 = tpu.vector_load_idx %gather3A_238[%get3A_172] : memref<2016xf32, #tpu.memory_space<vmem>>[vector<16xi32>], vector<16xf32>,
          %mul3A_240 = arith.constant 16 : i32
          %mul3A_241 = arith.muli %scan3A_167, %mul3A_240 : i32
          %swap3A_242 = arith.constant 0 : i32
          %swap3A_243 = arith.constant 6 : i32
          %swap3A_244 = arith.index_cast %swap3A_242 : i32 to index
          %swap3A_245 = arith.index_cast %swap3A_243 : i32 to index
          %swap3A_246 = arith.index_cast %mul3A_241 : i32 to index
          %swap3A_247 = tpu.vector_load %arg13[%swap3A_244, %swap3A_245, %swap3A_246] {strides = array<i32>} : memref<2x8x1024xf32, #tpu.memory_space<vmem>>, vector<16xf32>,
          tpu.vector_store %arg13[%swap3A_244, %swap3A_245, %swap3A_246], %gather3A_239 {strides = array<i32>} : memref<2x8x1024xf32, #tpu.memory_space<vmem>>, vector<16xf32>,
          %gather3A_248 = arith.constant 14112 : i32
          %gather3A_249 = tpu.memref_slice %arg9[%gather3A_248] : memref<16128xf32, #tpu.memory_space<vmem>> -> memref<2016xf32, #tpu.memory_space<vmem>>
          %gather3A_250 = tpu.vector_load_idx %gather3A_249[%get3A_172] : memref<2016xf32, #tpu.memory_space<vmem>>[vector<16xi32>], vector<16xf32>,
          %mul3A_251 = arith.constant 16 : i32
          %mul3A_252 = arith.muli %scan3A_167, %mul3A_251 : i32
          %swap3A_253 = arith.constant 0 : i32
          %swap3A_254 = arith.constant 7 : i32
          %swap3A_255 = arith.index_cast %swap3A_253 : i32 to index
          %swap3A_256 = arith.index_cast %swap3A_254 : i32 to index
          %swap3A_257 = arith.index_cast %mul3A_252 : i32 to index
          %swap3A_258 = tpu.vector_load %arg13[%swap3A_255, %swap3A_256, %swap3A_257] {strides = array<i32>} : memref<2x8x1024xf32, #tpu.memory_space<vmem>>, vector<16xf32>,
          tpu.vector_store %arg13[%swap3A_255, %swap3A_256, %swap3A_257], %gather3A_250 {strides = array<i32>} : memref<2x8x1024xf32, #tpu.memory_space<vmem>>, vector<16xf32>,
          %scan3A_259 = arith.constant 0 : i32
          scf.yield %scan3A_259 : i32
        }
        %scan3A_108 = arith.constant 64 : i32
        %mul3A_109 = arith.constant 2 : i32
        %mul3A_110 = arith.muli %mul3A_109, %scan3A_94 : i32
        %mul3A_111 = arith.constant 8 : i32
        %mul3A_112 = arith.muli %scan3A_47, %mul3A_111 : i32
        %mul3A_113 = arith.constant 1024 : i32
        %mul3A_114 = arith.muli %mul3A_110, %mul3A_113 : i32
        %dma_start3A = arith.constant 0 : i32
        %dma_start3A_115 = arith.constant 0 : i32
        %dma_start3A_116 = arith.constant 0 : i32
        %dma_start3A_117 = tpu.memref_slice %arg13[%dma_start3A, %dma_start3A_115, %dma_start3A_116] : memref<2x8x1024xf32, #tpu.memory_space<vmem>> -> memref<1x8x1024xf32, #tpu.memory_space<vmem>>
        %dma_start3A_118 = tpu.memref_squeeze %dma_start3A_117 : memref<1x8x1024xf32, #tpu.memory_space<vmem>> -> memref<8x1024xf32, #tpu.memory_space<vmem>>
        %dma_start3A_119 = tpu.memref_slice %arg6[%add3A_14, %mul3A_112, %mul3A_114] : memref<64x64x16384xf32, #tpu.memory_space<hbm>> -> memref<1x8x1024xf32, #tpu.memory_space<hbm>>
        %dma_start3A_120 = tpu.memref_squeeze %dma_start3A_119 : memref<1x8x1024xf32, #tpu.memory_space<hbm>> -> memref<8x1024xf32, #tpu.memory_space<hbm>>
        %dma_start3A_121 = tpu.memref_slice %arg6[%add3A_14, %mul3A_112, %mul3A_114] : memref<64x64x16384xf32, #tpu.memory_space<hbm>> -> memref<1x8x1024xf32, #tpu.memory_space<hbm>>
        %dma_start3A_122 = tpu.memref_squeeze %dma_start3A_121 : memref<1x8x1024xf32, #tpu.memory_space<hbm>> -> memref<8x1024xf32, #tpu.memory_space<hbm>>
        %dma_start3A_123 = arith.constant 0 : i32
        %dma_start3A_124 = arith.constant 0 : i32
        %dma_start3A_125 = tpu.memref_slice %arg13[%dma_start3A, %dma_start3A_123, %dma_start3A_124] : memref<2x8x1024xf32, #tpu.memory_space<vmem>> -> memref<1x8x1024xf32, #tpu.memory_space<vmem>>
        %dma_start3A_126 = tpu.memref_squeeze %dma_start3A_125 : memref<1x8x1024xf32, #tpu.memory_space<vmem>> -> memref<8x1024xf32, #tpu.memory_space<vmem>>
        tpu.enqueue_dma source(%dma_start3A_126 : memref<8x1024xf32, #tpu.memory_space<vmem>>) target(%dma_start3A_122 : memref<8x1024xf32, #tpu.memory_space<hbm>>) target_semaphore(%arg14 : memref<!tpu.dma_semaphore, #tpu.memory_space<semaphore_mem>>)
        %gt3A_127 = arith.constant 0 : i32
        %gt3A_128 = arith.cmpi sgt, %scan3A_94, %gt3A_127 : i32
        %convert_element_type3A_129 = arith.extui %gt3A_128 : i1 to i32
        %cond3A_130 = arith.constant 0 : i32
        %cond3A_131 = arith.cmpi ne, %convert_element_type3A_129, %cond3A_130 : i32
        scf.if %cond3A_131 {
          %dma_wait3A_167 = arith.constant 0 : i32
          %dma_wait3A_168 = arith.constant 0 : i32
          %dma_wait3A_169 = arith.constant 0 : i32
          %dma_wait3A_170 = tpu.memref_slice %arg13[%dma_wait3A_167, %dma_wait3A_168, %dma_wait3A_169] : memref<2x8x1024xf32, #tpu.memory_space<vmem>> -> memref<1x8x1024xf32, #tpu.memory_space<vmem>>
          %dma_wait3A_171 = tpu.memref_squeeze %dma_wait3A_170 : memref<1x8x1024xf32, #tpu.memory_space<vmem>> -> memref<8x1024xf32, #tpu.memory_space<vmem>>
          %dma_wait3A_172 = arith.constant 0 : i32
          %dma_wait3A_173 = arith.constant 0 : i32
          %dma_wait3A_174 = tpu.memref_slice %arg6[%add3A_14, %dma_wait3A_172, %dma_wait3A_173] : memref<64x64x16384xf32, #tpu.memory_space<hbm>> -> memref<1x8x1024xf32, #tpu.memory_space<hbm>>
          %dma_wait3A_175 = tpu.memref_squeeze %dma_wait3A_174 : memref<1x8x1024xf32, #tpu.memory_space<hbm>> -> memref<8x1024xf32, #tpu.memory_space<hbm>>
          %dma_wait3A_176 = arith.constant 0 : i32
          %dma_wait3A_177 = arith.constant 0 : i32
          %dma_wait3A_178 = tpu.memref_slice %arg6[%add3A_14, %dma_wait3A_176, %dma_wait3A_177] : memref<64x64x16384xf32, #tpu.memory_space<hbm>> -> memref<1x8x1024xf32, #tpu.memory_space<hbm>>
          %dma_wait3A_179 = tpu.memref_squeeze %dma_wait3A_178 : memref<1x8x1024xf32, #tpu.memory_space<hbm>> -> memref<8x1024xf32, #tpu.memory_space<hbm>>
          %dma_wait3A_180 = arith.constant 0 : i32
          %dma_wait3A_181 = arith.constant 0 : i32
          %dma_wait3A_182 = tpu.memref_slice %arg13[%dma_wait3A_167, %dma_wait3A_180, %dma_wait3A_181] : memref<2x8x1024xf32, #tpu.memory_space<vmem>> -> memref<1x8x1024xf32, #tpu.memory_space<vmem>>
          %dma_wait3A_183 = tpu.memref_squeeze %dma_wait3A_182 : memref<1x8x1024xf32, #tpu.memory_space<vmem>> -> memref<8x1024xf32, #tpu.memory_space<vmem>>
          tpu.wait_dma2 semaphore(%arg15 : memref<!tpu.dma_semaphore, #tpu.memory_space<semaphore_mem>>) src(%dma_wait3A_183 : memref<8x1024xf32, #tpu.memory_space<vmem>>) dst(%dma_wait3A_179 : memref<8x1024xf32, #tpu.memory_space<hbm>>)
        } else {
        }
        %mul3A_132 = arith.constant 2 : i32
        %mul3A_133 = arith.muli %mul3A_132, %scan3A_94 : i32
        %add3A_134 = arith.constant 1 : i32
        %add3A_135 = arith.addi %mul3A_133, %add3A_134 : i32
        %mul3A_136 = arith.constant 1024 : i32
        %mul3A_137 = arith.muli %add3A_135, %mul3A_136 : i32
        %scan3A_138 = arith.constant 0 : i32
        %scan3A_139 = arith.constant 0 : i32
        %scan3A_140 = arith.constant 64 : i32
        %scan3A_141 = arith.addi %scan3A_139, %scan3A_140 : i32
        %scan3A_142 = arith.constant 1 : i32
        %scan3A_143 = scf.for %scan3A_167 = %scan3A_139 to %scan3A_141 step %scan3A_142 iter_args(%scan3A_168 = %scan3A_138) -> (i32)  : i32 {
          %mul3A_169 = arith.constant 16 : i32
          %mul3A_170 = arith.muli %scan3A_167, %mul3A_169 : i32
          %add3A_171 = arith.addi %mul3A_137, %mul3A_170 : i32
          %get3A = arith.index_cast %add3A_171 : i32 to index
          %get3A_172 = tpu.vector_load %arg10[%get3A] {strides = array<i32>} : memref<16384xi32, #tpu.memory_space<vmem>>, vector<16xi32>,
          %gather3A = arith.constant 0 : i32
          %gather3A_173 = tpu.memref_slice %arg9[%gather3A] : memref<16128xf32, #tpu.memory_space<vmem>> -> memref<2016xf32, #tpu.memory_space<vmem>>
          %gather3A_174 = tpu.vector_load_idx %gather3A_173[%get3A_172] : memref<2016xf32, #tpu.memory_space<vmem>>[vector<16xi32>], vector<16xf32>,
          %mul3A_175 = arith.constant 16 : i32
          %mul3A_176 = arith.muli %scan3A_167, %mul3A_175 : i32
          %swap3A = arith.constant 1 : i32
          %swap3A_177 = arith.constant 0 : i32
          %swap3A_178 = arith.index_cast %swap3A : i32 to index
          %swap3A_179 = arith.index_cast %swap3A_177 : i32 to index
          %swap3A_180 = arith.index_cast %mul3A_176 : i32 to index
          %swap3A_181 = tpu.vector_load %arg13[%swap3A_178, %swap3A_179, %swap3A_180] {strides = array<i32>} : memref<2x8x1024xf32, #tpu.memory_space<vmem>>, vector<16xf32>,
          tpu.vector_store %arg13[%swap3A_178, %swap3A_179, %swap3A_180], %gather3A_174 {strides = array<i32>} : memref<2x8x1024xf32, #tpu.memory_space<vmem>>, vector<16xf32>,
          %gather3A_182 = arith.constant 2016 : i32
          %gather3A_183 = tpu.memref_slice %arg9[%gather3A_182] : memref<16128xf32, #tpu.memory_space<vmem>> -> memref<2016xf32, #tpu.memory_space<vmem>>
          %gather3A_184 = tpu.vector_load_idx %gather3A_183[%get3A_172] : memref<2016xf32, #tpu.memory_space<vmem>>[vector<16xi32>], vector<16xf32>,
          %mul3A_185 = arith.constant 16 : i32
          %mul3A_186 = arith.muli %scan3A_167, %mul3A_185 : i32
          %swap3A_187 = arith.constant 1 : i32
          %swap3A_188 = arith.constant 1 : i32
          %swap3A_189 = arith.index_cast %swap3A_187 : i32 to index
          %swap3A_190 = arith.index_cast %swap3A_188 : i32 to index
          %swap3A_191 = arith.index_cast %mul3A_186 : i32 to index
          %swap3A_192 = tpu.vector_load %arg13[%swap3A_189, %swap3A_190, %swap3A_191] {strides = array<i32>} : memref<2x8x1024xf32, #tpu.memory_space<vmem>>, vector<16xf32>,
          tpu.vector_store %arg13[%swap3A_189, %swap3A_190, %swap3A_191], %gather3A_184 {strides = array<i32>} : memref<2x8x1024xf32, #tpu.memory_space<vmem>>, vector<16xf32>,
          %gather3A_193 = arith.constant 4032 : i32
          %gather3A_194 = tpu.memref_slice %arg9[%gather3A_193] : memref<16128xf32, #tpu.memory_space<vmem>> -> memref<2016xf32, #tpu.memory_space<vmem>>
          %gather3A_195 = tpu.vector_load_idx %gather3A_194[%get3A_172] : memref<2016xf32, #tpu.memory_space<vmem>>[vector<16xi32>], vector<16xf32>,
          %mul3A_196 = arith.constant 16 : i32
          %mul3A_197 = arith.muli %scan3A_167, %mul3A_196 : i32
          %swap3A_198 = arith.constant 1 : i32
          %swap3A_199 = arith.constant 2 : i32
          %swap3A_200 = arith.index_cast %swap3A_198 : i32 to index
          %swap3A_201 = arith.index_cast %swap3A_199 : i32 to index
          %swap3A_202 = arith.index_cast %mul3A_197 : i32 to index
          %swap3A_203 = tpu.vector_load %arg13[%swap3A_200, %swap3A_201, %swap3A_202] {strides = array<i32>} : memref<2x8x1024xf32, #tpu.memory_space<vmem>>, vector<16xf32>,
          tpu.vector_store %arg13[%swap3A_200, %swap3A_201, %swap3A_202], %gather3A_195 {strides = array<i32>} : memref<2x8x1024xf32, #tpu.memory_space<vmem>>, vector<16xf32>,
          %gather3A_204 = arith.constant 6048 : i32
          %gather3A_205 = tpu.memref_slice %arg9[%gather3A_204] : memref<16128xf32, #tpu.memory_space<vmem>> -> memref<2016xf32, #tpu.memory_space<vmem>>
          %gather3A_206 = tpu.vector_load_idx %gather3A_205[%get3A_172] : memref<2016xf32, #tpu.memory_space<vmem>>[vector<16xi32>], vector<16xf32>,
          %mul3A_207 = arith.constant 16 : i32
          %mul3A_208 = arith.muli %scan3A_167, %mul3A_207 : i32
          %swap3A_209 = arith.constant 1 : i32
          %swap3A_210 = arith.constant 3 : i32
          %swap3A_211 = arith.index_cast %swap3A_209 : i32 to index
          %swap3A_212 = arith.index_cast %swap3A_210 : i32 to index
          %swap3A_213 = arith.index_cast %mul3A_208 : i32 to index
          %swap3A_214 = tpu.vector_load %arg13[%swap3A_211, %swap3A_212, %swap3A_213] {strides = array<i32>} : memref<2x8x1024xf32, #tpu.memory_space<vmem>>, vector<16xf32>,
          tpu.vector_store %arg13[%swap3A_211, %swap3A_212, %swap3A_213], %gather3A_206 {strides = array<i32>} : memref<2x8x1024xf32, #tpu.memory_space<vmem>>, vector<16xf32>,
          %gather3A_215 = arith.constant 8064 : i32
          %gather3A_216 = tpu.memref_slice %arg9[%gather3A_215] : memref<16128xf32, #tpu.memory_space<vmem>> -> memref<2016xf32, #tpu.memory_space<vmem>>
          %gather3A_217 = tpu.vector_load_idx %gather3A_216[%get3A_172] : memref<2016xf32, #tpu.memory_space<vmem>>[vector<16xi32>], vector<16xf32>,
          %mul3A_218 = arith.constant 16 : i32
          %mul3A_219 = arith.muli %scan3A_167, %mul3A_218 : i32
          %swap3A_220 = arith.constant 1 : i32
          %swap3A_221 = arith.constant 4 : i32
          %swap3A_222 = arith.index_cast %swap3A_220 : i32 to index
          %swap3A_223 = arith.index_cast %swap3A_221 : i32 to index
          %swap3A_224 = arith.index_cast %mul3A_219 : i32 to index
          %swap3A_225 = tpu.vector_load %arg13[%swap3A_222, %swap3A_223, %swap3A_224] {strides = array<i32>} : memref<2x8x1024xf32, #tpu.memory_space<vmem>>, vector<16xf32>,
          tpu.vector_store %arg13[%swap3A_222, %swap3A_223, %swap3A_224], %gather3A_217 {strides = array<i32>} : memref<2x8x1024xf32, #tpu.memory_space<vmem>>, vector<16xf32>,
          %gather3A_226 = arith.constant 10080 : i32
          %gather3A_227 = tpu.memref_slice %arg9[%gather3A_226] : memref<16128xf32, #tpu.memory_space<vmem>> -> memref<2016xf32, #tpu.memory_space<vmem>>
          %gather3A_228 = tpu.vector_load_idx %gather3A_227[%get3A_172] : memref<2016xf32, #tpu.memory_space<vmem>>[vector<16xi32>], vector<16xf32>,
          %mul3A_229 = arith.constant 16 : i32
          %mul3A_230 = arith.muli %scan3A_167, %mul3A_229 : i32
          %swap3A_231 = arith.constant 1 : i32
          %swap3A_232 = arith.constant 5 : i32
          %swap3A_233 = arith.index_cast %swap3A_231 : i32 to index
          %swap3A_234 = arith.index_cast %swap3A_232 : i32 to index
          %swap3A_235 = arith.index_cast %mul3A_230 : i32 to index
          %swap3A_236 = tpu.vector_load %arg13[%swap3A_233, %swap3A_234, %swap3A_235] {strides = array<i32>} : memref<2x8x1024xf32, #tpu.memory_space<vmem>>, vector<16xf32>,
          tpu.vector_store %arg13[%swap3A_233, %swap3A_234, %swap3A_235], %gather3A_228 {strides = array<i32>} : memref<2x8x1024xf32, #tpu.memory_space<vmem>>, vector<16xf32>,
          %gather3A_237 = arith.constant 12096 : i32
          %gather3A_238 = tpu.memref_slice %arg9[%gather3A_237] : memref<16128xf32, #tpu.memory_space<vmem>> -> memref<2016xf32, #tpu.memory_space<vmem>>
          %gather3A_239 = tpu.vector_load_idx %gather3A_238[%get3A_172] : memref<2016xf32, #tpu.memory_space<vmem>>[vector<16xi32>], vector<16xf32>,
          %mul3A_240 = arith.constant 16 : i32
          %mul3A_241 = arith.muli %scan3A_167, %mul3A_240 : i32
          %swap3A_242 = arith.constant 1 : i32
          %swap3A_243 = arith.constant 6 : i32
          %swap3A_244 = arith.index_cast %swap3A_242 : i32 to index
          %swap3A_245 = arith.index_cast %swap3A_243 : i32 to index
          %swap3A_246 = arith.index_cast %mul3A_241 : i32 to index
          %swap3A_247 = tpu.vector_load %arg13[%swap3A_244, %swap3A_245, %swap3A_246] {strides = array<i32>} : memref<2x8x1024xf32, #tpu.memory_space<vmem>>, vector<16xf32>,
          tpu.vector_store %arg13[%swap3A_244, %swap3A_245, %swap3A_246], %gather3A_239 {strides = array<i32>} : memref<2x8x1024xf32, #tpu.memory_space<vmem>>, vector<16xf32>,
          %gather3A_248 = arith.constant 14112 : i32
          %gather3A_249 = tpu.memref_slice %arg9[%gather3A_248] : memref<16128xf32, #tpu.memory_space<vmem>> -> memref<2016xf32, #tpu.memory_space<vmem>>
          %gather3A_250 = tpu.vector_load_idx %gather3A_249[%get3A_172] : memref<2016xf32, #tpu.memory_space<vmem>>[vector<16xi32>], vector<16xf32>,
          %mul3A_251 = arith.constant 16 : i32
          %mul3A_252 = arith.muli %scan3A_167, %mul3A_251 : i32
          %swap3A_253 = arith.constant 1 : i32
          %swap3A_254 = arith.constant 7 : i32
          %swap3A_255 = arith.index_cast %swap3A_253 : i32 to index
          %swap3A_256 = arith.index_cast %swap3A_254 : i32 to index
          %swap3A_257 = arith.index_cast %mul3A_252 : i32 to index
          %swap3A_258 = tpu.vector_load %arg13[%swap3A_255, %swap3A_256, %swap3A_257] {strides = array<i32>} : memref<2x8x1024xf32, #tpu.memory_space<vmem>>, vector<16xf32>,
          tpu.vector_store %arg13[%swap3A_255, %swap3A_256, %swap3A_257], %gather3A_250 {strides = array<i32>} : memref<2x8x1024xf32, #tpu.memory_space<vmem>>, vector<16xf32>,
          %scan3A_259 = arith.constant 0 : i32
          scf.yield %scan3A_259 : i32
        }
        %scan3A_144 = arith.constant 64 : i32
        %mul3A_145 = arith.constant 2 : i32
        %mul3A_146 = arith.muli %mul3A_145, %scan3A_94 : i32
        %add3A_147 = arith.constant 1 : i32
        %add3A_148 = arith.addi %mul3A_146, %add3A_147 : i32
        %mul3A_149 = arith.constant 8 : i32
        %mul3A_150 = arith.muli %scan3A_47, %mul3A_149 : i32
        %mul3A_151 = arith.constant 1024 : i32
        %mul3A_152 = arith.muli %add3A_148, %mul3A_151 : i32
        %dma_start3A_153 = arith.constant 1 : i32
        %dma_start3A_154 = arith.constant 0 : i32
        %dma_start3A_155 = arith.constant 0 : i32
        %dma_start3A_156 = tpu.memref_slice %arg13[%dma_start3A_153, %dma_start3A_154, %dma_start3A_155] : memref<2x8x1024xf32, #tpu.memory_space<vmem>> -> memref<1x8x1024xf32, #tpu.memory_space<vmem>>
        %dma_start3A_157 = tpu.memref_squeeze %dma_start3A_156 : memref<1x8x1024xf32, #tpu.memory_space<vmem>> -> memref<8x1024xf32, #tpu.memory_space<vmem>>
        %dma_start3A_158 = tpu.memref_slice %arg6[%add3A_14, %mul3A_150, %mul3A_152] : memref<64x64x16384xf32, #tpu.memory_space<hbm>> -> memref<1x8x1024xf32, #tpu.memory_space<hbm>>
        %dma_start3A_159 = tpu.memref_squeeze %dma_start3A_158 : memref<1x8x1024xf32, #tpu.memory_space<hbm>> -> memref<8x1024xf32, #tpu.memory_space<hbm>>
        %dma_start3A_160 = tpu.memref_slice %arg6[%add3A_14, %mul3A_150, %mul3A_152] : memref<64x64x16384xf32, #tpu.memory_space<hbm>> -> memref<1x8x1024xf32, #tpu.memory_space<hbm>>
        %dma_start3A_161 = tpu.memref_squeeze %dma_start3A_160 : memref<1x8x1024xf32, #tpu.memory_space<hbm>> -> memref<8x1024xf32, #tpu.memory_space<hbm>>
        %dma_start3A_162 = arith.constant 0 : i32
        %dma_start3A_163 = arith.constant 0 : i32
        %dma_start3A_164 = tpu.memref_slice %arg13[%dma_start3A_153, %dma_start3A_162, %dma_start3A_163] : memref<2x8x1024xf32, #tpu.memory_space<vmem>> -> memref<1x8x1024xf32, #tpu.memory_space<vmem>>
        %dma_start3A_165 = tpu.memref_squeeze %dma_start3A_164 : memref<1x8x1024xf32, #tpu.memory_space<vmem>> -> memref<8x1024xf32, #tpu.memory_space<vmem>>
        tpu.enqueue_dma source(%dma_start3A_165 : memref<8x1024xf32, #tpu.memory_space<vmem>>) target(%dma_start3A_161 : memref<8x1024xf32, #tpu.memory_space<hbm>>) target_semaphore(%arg15 : memref<!tpu.dma_semaphore, #tpu.memory_space<semaphore_mem>>)
        %scan3A_166 = arith.constant 0 : i32
        scf.yield %scan3A_166 : i32
      }
      %scan3A_59 = arith.constant 8 : i32
      %dma_wait3A = arith.constant 0 : i32
      %dma_wait3A_60 = arith.constant 0 : i32
      %dma_wait3A_61 = arith.constant 0 : i32
      %dma_wait3A_62 = tpu.memref_slice %arg13[%dma_wait3A, %dma_wait3A_60, %dma_wait3A_61] : memref<2x8x1024xf32, #tpu.memory_space<vmem>> -> memref<1x8x1024xf32, #tpu.memory_space<vmem>>
      %dma_wait3A_63 = tpu.memref_squeeze %dma_wait3A_62 : memref<1x8x1024xf32, #tpu.memory_space<vmem>> -> memref<8x1024xf32, #tpu.memory_space<vmem>>
      %dma_wait3A_64 = arith.constant 0 : i32
      %dma_wait3A_65 = arith.constant 0 : i32
      %dma_wait3A_66 = tpu.memref_slice %arg6[%add3A_14, %dma_wait3A_64, %dma_wait3A_65] : memref<64x64x16384xf32, #tpu.memory_space<hbm>> -> memref<1x8x1024xf32, #tpu.memory_space<hbm>>
      %dma_wait3A_67 = tpu.memref_squeeze %dma_wait3A_66 : memref<1x8x1024xf32, #tpu.memory_space<hbm>> -> memref<8x1024xf32, #tpu.memory_space<hbm>>
      %dma_wait3A_68 = arith.constant 0 : i32
      %dma_wait3A_69 = arith.constant 0 : i32
      %dma_wait3A_70 = tpu.memref_slice %arg6[%add3A_14, %dma_wait3A_68, %dma_wait3A_69] : memref<64x64x16384xf32, #tpu.memory_space<hbm>> -> memref<1x8x1024xf32, #tpu.memory_space<hbm>>
      %dma_wait3A_71 = tpu.memref_squeeze %dma_wait3A_70 : memref<1x8x1024xf32, #tpu.memory_space<hbm>> -> memref<8x1024xf32, #tpu.memory_space<hbm>>
      %dma_wait3A_72 = arith.constant 0 : i32
      %dma_wait3A_73 = arith.constant 0 : i32
      %dma_wait3A_74 = tpu.memref_slice %arg13[%dma_wait3A, %dma_wait3A_72, %dma_wait3A_73] : memref<2x8x1024xf32, #tpu.memory_space<vmem>> -> memref<1x8x1024xf32, #tpu.memory_space<vmem>>
      %dma_wait3A_75 = tpu.memref_squeeze %dma_wait3A_74 : memref<1x8x1024xf32, #tpu.memory_space<vmem>> -> memref<8x1024xf32, #tpu.memory_space<vmem>>
      tpu.wait_dma2 semaphore(%arg14 : memref<!tpu.dma_semaphore, #tpu.memory_space<semaphore_mem>>) src(%dma_wait3A_75 : memref<8x1024xf32, #tpu.memory_space<vmem>>) dst(%dma_wait3A_71 : memref<8x1024xf32, #tpu.memory_space<hbm>>)
      %dma_wait3A_76 = arith.constant 0 : i32
      %dma_wait3A_77 = arith.constant 0 : i32
      %dma_wait3A_78 = arith.constant 0 : i32
      %dma_wait3A_79 = tpu.memref_slice %arg13[%dma_wait3A_76, %dma_wait3A_77, %dma_wait3A_78] : memref<2x8x1024xf32, #tpu.memory_space<vmem>> -> memref<1x8x1024xf32, #tpu.memory_space<vmem>>
      %dma_wait3A_80 = tpu.memref_squeeze %dma_wait3A_79 : memref<1x8x1024xf32, #tpu.memory_space<vmem>> -> memref<8x1024xf32, #tpu.memory_space<vmem>>
      %dma_wait3A_81 = arith.constant 0 : i32
      %dma_wait3A_82 = arith.constant 0 : i32
      %dma_wait3A_83 = tpu.memref_slice %arg6[%add3A_14, %dma_wait3A_81, %dma_wait3A_82] : memref<64x64x16384xf32, #tpu.memory_space<hbm>> -> memref<1x8x1024xf32, #tpu.memory_space<hbm>>
      %dma_wait3A_84 = tpu.memref_squeeze %dma_wait3A_83 : memref<1x8x1024xf32, #tpu.memory_space<hbm>> -> memref<8x1024xf32, #tpu.memory_space<hbm>>
      %dma_wait3A_85 = arith.constant 0 : i32
      %dma_wait3A_86 = arith.constant 0 : i32
      %dma_wait3A_87 = tpu.memref_slice %arg6[%add3A_14, %dma_wait3A_85, %dma_wait3A_86] : memref<64x64x16384xf32, #tpu.memory_space<hbm>> -> memref<1x8x1024xf32, #tpu.memory_space<hbm>>
      %dma_wait3A_88 = tpu.memref_squeeze %dma_wait3A_87 : memref<1x8x1024xf32, #tpu.memory_space<hbm>> -> memref<8x1024xf32, #tpu.memory_space<hbm>>
      %dma_wait3A_89 = arith.constant 0 : i32
      %dma_wait3A_90 = arith.constant 0 : i32
      %dma_wait3A_91 = tpu.memref_slice %arg13[%dma_wait3A_76, %dma_wait3A_89, %dma_wait3A_90] : memref<2x8x1024xf32, #tpu.memory_space<vmem>> -> memref<1x8x1024xf32, #tpu.memory_space<vmem>>
      %dma_wait3A_92 = tpu.memref_squeeze %dma_wait3A_91 : memref<1x8x1024xf32, #tpu.memory_space<vmem>> -> memref<8x1024xf32, #tpu.memory_space<vmem>>
      tpu.wait_dma2 semaphore(%arg15 : memref<!tpu.dma_semaphore, #tpu.memory_space<semaphore_mem>>) src(%dma_wait3A_92 : memref<8x1024xf32, #tpu.memory_space<vmem>>) dst(%dma_wait3A_88 : memref<8x1024xf32, #tpu.memory_space<hbm>>)
      %scan3A_93 = arith.constant 0 : i32
      scf.yield %scan3A_93 : i32
    }
    %scan3A_28 = arith.constant 8 : i32
    %mul3A_29 = arith.constant 2 : i32
    %mul3A_30 = arith.muli %add3A, %mul3A_29 : i32
    %add3A_31 = arith.constant 1 : i32
    %add3A_32 = arith.addi %mul3A_30, %add3A_31 : i32
    "tpu.region"() ({
      %run_scoped3A = tpu.sem_alloc : memref<!tpu.dma_semaphore, #tpu.memory_space<semaphore_mem>>
      %dma_start3A = arith.constant 0 : i32
      %dma_start3A_47 = tpu.memref_slice %arg2[%add3A_32, %dma_start3A] : memref<64x16384xf32, #tpu.memory_space<hbm>> -> memref<1x16384xf32, #tpu.memory_space<hbm>>
      %dma_start3A_48 = tpu.memref_squeeze %dma_start3A_47 : memref<1x16384xf32, #tpu.memory_space<hbm>> -> memref<16384xf32, #tpu.memory_space<hbm>>
      %dma_start3A_49 = arith.constant 0 : i32
      %dma_start3A_50 = tpu.memref_slice %arg2[%add3A_32, %dma_start3A_49] : memref<64x16384xf32, #tpu.memory_space<hbm>> -> memref<1x16384xf32, #tpu.memory_space<hbm>>
      %dma_start3A_51 = tpu.memref_squeeze %dma_start3A_50 : memref<1x16384xf32, #tpu.memory_space<hbm>> -> memref<16384xf32, #tpu.memory_space<hbm>>
      tpu.enqueue_dma source(%dma_start3A_51 : memref<16384xf32, #tpu.memory_space<hbm>>) target(%arg11 : memref<16384xf32, #tpu.memory_space<vmem>>) target_semaphore(%run_scoped3A : memref<!tpu.dma_semaphore, #tpu.memory_space<semaphore_mem>>)
      %dma_wait3A = arith.constant 0 : i32
      %dma_wait3A_52 = tpu.memref_slice %arg2[%add3A_32, %dma_wait3A] : memref<64x16384xf32, #tpu.memory_space<hbm>> -> memref<1x16384xf32, #tpu.memory_space<hbm>>
      %dma_wait3A_53 = tpu.memref_squeeze %dma_wait3A_52 : memref<1x16384xf32, #tpu.memory_space<hbm>> -> memref<16384xf32, #tpu.memory_space<hbm>>
      %dma_wait3A_54 = arith.constant 0 : i32
      %dma_wait3A_55 = tpu.memref_slice %arg2[%add3A_32, %dma_wait3A_54] : memref<64x16384xf32, #tpu.memory_space<hbm>> -> memref<1x16384xf32, #tpu.memory_space<hbm>>
      %dma_wait3A_56 = tpu.memref_squeeze %dma_wait3A_55 : memref<1x16384xf32, #tpu.memory_space<hbm>> -> memref<16384xf32, #tpu.memory_space<hbm>>
      tpu.wait_dma2 semaphore(%run_scoped3A : memref<!tpu.dma_semaphore, #tpu.memory_space<semaphore_mem>>) src(%dma_wait3A_56 : memref<16384xf32, #tpu.memory_space<hbm>>) dst(%arg11 : memref<16384xf32, #tpu.memory_space<vmem>>)
      tpu.yield
    }) : () -> ()
    "tpu.region"() ({
      %run_scoped3A = tpu.sem_alloc : memref<!tpu.dma_semaphore, #tpu.memory_space<semaphore_mem>>
      %dma_start3A = arith.constant 0 : i32
      %dma_start3A_47 = tpu.memref_slice %arg3[%add3A_32, %dma_start3A] : memref<64x16384xi32, #tpu.memory_space<hbm>> -> memref<1x16384xi32, #tpu.memory_space<hbm>>
      %dma_start3A_48 = tpu.memref_squeeze %dma_start3A_47 : memref<1x16384xi32, #tpu.memory_space<hbm>> -> memref<16384xi32, #tpu.memory_space<hbm>>
      %dma_start3A_49 = arith.constant 0 : i32
      %dma_start3A_50 = tpu.memref_slice %arg3[%add3A_32, %dma_start3A_49] : memref<64x16384xi32, #tpu.memory_space<hbm>> -> memref<1x16384xi32, #tpu.memory_space<hbm>>
      %dma_start3A_51 = tpu.memref_squeeze %dma_start3A_50 : memref<1x16384xi32, #tpu.memory_space<hbm>> -> memref<16384xi32, #tpu.memory_space<hbm>>
      tpu.enqueue_dma source(%dma_start3A_51 : memref<16384xi32, #tpu.memory_space<hbm>>) target(%arg12 : memref<16384xi32, #tpu.memory_space<vmem>>) target_semaphore(%run_scoped3A : memref<!tpu.dma_semaphore, #tpu.memory_space<semaphore_mem>>)
      %dma_wait3A = arith.constant 0 : i32
      %dma_wait3A_52 = tpu.memref_slice %arg3[%add3A_32, %dma_wait3A] : memref<64x16384xi32, #tpu.memory_space<hbm>> -> memref<1x16384xi32, #tpu.memory_space<hbm>>
      %dma_wait3A_53 = tpu.memref_squeeze %dma_wait3A_52 : memref<1x16384xi32, #tpu.memory_space<hbm>> -> memref<16384xi32, #tpu.memory_space<hbm>>
      %dma_wait3A_54 = arith.constant 0 : i32
      %dma_wait3A_55 = tpu.memref_slice %arg3[%add3A_32, %dma_wait3A_54] : memref<64x16384xi32, #tpu.memory_space<hbm>> -> memref<1x16384xi32, #tpu.memory_space<hbm>>
      %dma_wait3A_56 = tpu.memref_squeeze %dma_wait3A_55 : memref<1x16384xi32, #tpu.memory_space<hbm>> -> memref<16384xi32, #tpu.memory_space<hbm>>
      tpu.wait_dma2 semaphore(%run_scoped3A : memref<!tpu.dma_semaphore, #tpu.memory_space<semaphore_mem>>) src(%dma_wait3A_56 : memref<16384xi32, #tpu.memory_space<hbm>>) dst(%arg12 : memref<16384xi32, #tpu.memory_space<vmem>>)
      tpu.yield
    }) : () -> ()
    %scan3A_33 = arith.constant 0 : i32
    %scan3A_34 = arith.constant 0 : i32
    %scan3A_35 = arith.constant 1024 : i32
    %scan3A_36 = arith.addi %scan3A_34, %scan3A_35 : i32
    %scan3A_37 = arith.constant 1 : i32
    %scan3A_38 = scf.for %scan3A_47 = %scan3A_34 to %scan3A_36 step %scan3A_37 iter_args(%scan3A_48 = %scan3A_33) -> (i32)  : i32 {
      %mul3A_49 = arith.constant 16 : i32
      %mul3A_50 = arith.muli %scan3A_47, %mul3A_49 : i32
      %get3A = arith.index_cast %mul3A_50 : i32 to index
      %get3A_51 = tpu.vector_load %arg11[%get3A] {strides = array<i32>} : memref<16384xf32, #tpu.memory_space<vmem>>, vector<16xf32>,
      %mul3A_52 = arith.constant 2.880000e+02 : f32
      %mul3A_53 = vector.broadcast %mul3A_52 : f32 to vector<16xf32>
      %mul3A_54 = arith.mulf %get3A_51, %mul3A_53 : vector<16xf32>
      %convert_element_type3A = arith.fptosi %mul3A_54 : vector<16xf32> to vector<16xi32>
      %jit3A = arith.constant 0 : i32
      %jit3A_55 = arith.constant 287 : i32
      %max3A = vector.broadcast %jit3A : i32 to vector<16xi32>
      %max3A_56 = arith.maxsi %max3A, %convert_element_type3A : vector<16xi32>
      %min3A = vector.broadcast %jit3A_55 : i32 to vector<16xi32>
      %min3A_57 = arith.minsi %min3A, %max3A_56 : vector<16xi32>
      %mul3A_58 = arith.constant 16 : i32
      %mul3A_59 = arith.muli %scan3A_47, %mul3A_58 : i32
      %get3A_60 = arith.index_cast %mul3A_59 : i32 to index
      %get3A_61 = tpu.vector_load %arg12[%get3A_60] {strides = array<i32>} : memref<16384xi32, #tpu.memory_space<vmem>>, vector<16xi32>,
      %jit3A_62 = arith.constant 0 : i32
      %jit3A_63 = arith.constant 6 : i32
      %max3A_64 = vector.broadcast %jit3A_62 : i32 to vector<16xi32>
      %max3A_65 = arith.maxsi %max3A_64, %get3A_61 : vector<16xi32>
      %min3A_66 = vector.broadcast %jit3A_63 : i32 to vector<16xi32>
      %min3A_67 = arith.minsi %min3A_66, %max3A_65 : vector<16xi32>
      %mul3A_68 = arith.constant 7 : i32
      %mul3A_69 = vector.broadcast %mul3A_68 : i32 to vector<16xi32>
      %mul3A_70 = arith.muli %min3A_57, %mul3A_69 : vector<16xi32>
      %add3A_71 = arith.addi %mul3A_70, %min3A_67 : vector<16xi32>
      %mul3A_72 = arith.constant 16 : i32
      %mul3A_73 = arith.muli %scan3A_47, %mul3A_72 : i32
      %swap3A = arith.index_cast %mul3A_73 : i32 to index
      %swap3A_74 = tpu.vector_load %arg10[%swap3A] {strides = array<i32>} : memref<16384xi32, #tpu.memory_space<vmem>>, vector<16xi32>,
      tpu.vector_store %arg10[%swap3A], %add3A_71 {strides = array<i32>} : memref<16384xi32, #tpu.memory_space<vmem>>, vector<16xi32>,
      %scan3A_75 = arith.constant 0 : i32
      scf.yield %scan3A_75 : i32
    }
    %scan3A_39 = arith.constant 1024 : i32
    %scan3A_40 = arith.constant 0 : i32
    %scan3A_41 = arith.constant 0 : i32
    %scan3A_42 = arith.constant 8 : i32
    %scan3A_43 = arith.addi %scan3A_41, %scan3A_42 : i32
    %scan3A_44 = arith.constant 1 : i32
    %scan3A_45 = scf.for %scan3A_47 = %scan3A_41 to %scan3A_43 step %scan3A_44 iter_args(%scan3A_48 = %scan3A_40) -> (i32)  : i32 {
      %mul3A_49 = arith.constant 8 : i32
      %mul3A_50 = arith.muli %scan3A_47, %mul3A_49 : i32
      %mul3A_51 = arith.constant 2016 : i32
      %mul3A_52 = arith.muli %mul3A_50, %mul3A_51 : i32
      "tpu.region"() ({
        %run_scoped3A = tpu.sem_alloc : memref<!tpu.dma_semaphore, #tpu.memory_space<semaphore_mem>>
        %dma_start3A = tpu.memref_slice %arg16[%mul3A_52] : memref<129024xf32, #tpu.memory_space<vmem_shared>> -> memref<16128xf32, #tpu.memory_space<vmem_shared>>
        %dma_start3A_94 = tpu.memref_slice %arg16[%mul3A_52] : memref<129024xf32, #tpu.memory_space<vmem_shared>> -> memref<16128xf32, #tpu.memory_space<vmem_shared>>
        tpu.enqueue_dma source(%dma_start3A_94 : memref<16128xf32, #tpu.memory_space<vmem_shared>>) target(%arg9 : memref<16128xf32, #tpu.memory_space<vmem>>) target_semaphore(%run_scoped3A : memref<!tpu.dma_semaphore, #tpu.memory_space<semaphore_mem>>)
        %dma_wait3A_95 = tpu.memref_slice %arg16[%mul3A_52] : memref<129024xf32, #tpu.memory_space<vmem_shared>> -> memref<16128xf32, #tpu.memory_space<vmem_shared>>
        %dma_wait3A_96 = tpu.memref_slice %arg16[%mul3A_52] : memref<129024xf32, #tpu.memory_space<vmem_shared>> -> memref<16128xf32, #tpu.memory_space<vmem_shared>>
        tpu.wait_dma2 semaphore(%run_scoped3A : memref<!tpu.dma_semaphore, #tpu.memory_space<semaphore_mem>>) src(%dma_wait3A_96 : memref<16128xf32, #tpu.memory_space<vmem_shared>>) dst(%arg9 : memref<16128xf32, #tpu.memory_space<vmem>>)
        tpu.yield
      }) : () -> ()
      %scan3A_53 = arith.constant 0 : i32
      %scan3A_54 = arith.constant 0 : i32
      %scan3A_55 = arith.constant 8 : i32
      %scan3A_56 = arith.addi %scan3A_54, %scan3A_55 : i32
      %scan3A_57 = arith.constant 1 : i32
      %scan3A_58 = scf.for %scan3A_94 = %scan3A_54 to %scan3A_56 step %scan3A_57 iter_args(%scan3A_95 = %scan3A_53) -> (i32)  : i32 {
        %gt3A = arith.constant 0 : i32
        %gt3A_96 = arith.cmpi sgt, %scan3A_94, %gt3A : i32
        %convert_element_type3A = arith.extui %gt3A_96 : i1 to i32
        %cond3A = arith.constant 0 : i32
        %cond3A_97 = arith.cmpi ne, %convert_element_type3A, %cond3A : i32
        scf.if %cond3A_97 {
          %dma_wait3A_167 = arith.constant 0 : i32
          %dma_wait3A_168 = arith.constant 0 : i32
          %dma_wait3A_169 = arith.constant 0 : i32
          %dma_wait3A_170 = tpu.memref_slice %arg13[%dma_wait3A_167, %dma_wait3A_168, %dma_wait3A_169] : memref<2x8x1024xf32, #tpu.memory_space<vmem>> -> memref<1x8x1024xf32, #tpu.memory_space<vmem>>
          %dma_wait3A_171 = tpu.memref_squeeze %dma_wait3A_170 : memref<1x8x1024xf32, #tpu.memory_space<vmem>> -> memref<8x1024xf32, #tpu.memory_space<vmem>>
          %dma_wait3A_172 = arith.constant 0 : i32
          %dma_wait3A_173 = arith.constant 0 : i32
          %dma_wait3A_174 = tpu.memref_slice %arg6[%add3A_32, %dma_wait3A_172, %dma_wait3A_173] : memref<64x64x16384xf32, #tpu.memory_space<hbm>> -> memref<1x8x1024xf32, #tpu.memory_space<hbm>>
          %dma_wait3A_175 = tpu.memref_squeeze %dma_wait3A_174 : memref<1x8x1024xf32, #tpu.memory_space<hbm>> -> memref<8x1024xf32, #tpu.memory_space<hbm>>
          %dma_wait3A_176 = arith.constant 0 : i32
          %dma_wait3A_177 = arith.constant 0 : i32
          %dma_wait3A_178 = tpu.memref_slice %arg6[%add3A_32, %dma_wait3A_176, %dma_wait3A_177] : memref<64x64x16384xf32, #tpu.memory_space<hbm>> -> memref<1x8x1024xf32, #tpu.memory_space<hbm>>
          %dma_wait3A_179 = tpu.memref_squeeze %dma_wait3A_178 : memref<1x8x1024xf32, #tpu.memory_space<hbm>> -> memref<8x1024xf32, #tpu.memory_space<hbm>>
          %dma_wait3A_180 = arith.constant 0 : i32
          %dma_wait3A_181 = arith.constant 0 : i32
          %dma_wait3A_182 = tpu.memref_slice %arg13[%dma_wait3A_167, %dma_wait3A_180, %dma_wait3A_181] : memref<2x8x1024xf32, #tpu.memory_space<vmem>> -> memref<1x8x1024xf32, #tpu.memory_space<vmem>>
          %dma_wait3A_183 = tpu.memref_squeeze %dma_wait3A_182 : memref<1x8x1024xf32, #tpu.memory_space<vmem>> -> memref<8x1024xf32, #tpu.memory_space<vmem>>
          tpu.wait_dma2 semaphore(%arg14 : memref<!tpu.dma_semaphore, #tpu.memory_space<semaphore_mem>>) src(%dma_wait3A_183 : memref<8x1024xf32, #tpu.memory_space<vmem>>) dst(%dma_wait3A_179 : memref<8x1024xf32, #tpu.memory_space<hbm>>)
        } else {
        }
        %mul3A_98 = arith.constant 2 : i32
        %mul3A_99 = arith.muli %mul3A_98, %scan3A_94 : i32
        %mul3A_100 = arith.constant 1024 : i32
        %mul3A_101 = arith.muli %mul3A_99, %mul3A_100 : i32
        %scan3A_102 = arith.constant 0 : i32
        %scan3A_103 = arith.constant 0 : i32
        %scan3A_104 = arith.constant 64 : i32
        %scan3A_105 = arith.addi %scan3A_103, %scan3A_104 : i32
        %scan3A_106 = arith.constant 1 : i32
        %scan3A_107 = scf.for %scan3A_167 = %scan3A_103 to %scan3A_105 step %scan3A_106 iter_args(%scan3A_168 = %scan3A_102) -> (i32)  : i32 {
          %mul3A_169 = arith.constant 16 : i32
          %mul3A_170 = arith.muli %scan3A_167, %mul3A_169 : i32
          %add3A_171 = arith.addi %mul3A_101, %mul3A_170 : i32
          %get3A = arith.index_cast %add3A_171 : i32 to index
          %get3A_172 = tpu.vector_load %arg10[%get3A] {strides = array<i32>} : memref<16384xi32, #tpu.memory_space<vmem>>, vector<16xi32>,
          %gather3A = arith.constant 0 : i32
          %gather3A_173 = tpu.memref_slice %arg9[%gather3A] : memref<16128xf32, #tpu.memory_space<vmem>> -> memref<2016xf32, #tpu.memory_space<vmem>>
          %gather3A_174 = tpu.vector_load_idx %gather3A_173[%get3A_172] : memref<2016xf32, #tpu.memory_space<vmem>>[vector<16xi32>], vector<16xf32>,
          %mul3A_175 = arith.constant 16 : i32
          %mul3A_176 = arith.muli %scan3A_167, %mul3A_175 : i32
          %swap3A = arith.constant 0 : i32
          %swap3A_177 = arith.constant 0 : i32
          %swap3A_178 = arith.index_cast %swap3A : i32 to index
          %swap3A_179 = arith.index_cast %swap3A_177 : i32 to index
          %swap3A_180 = arith.index_cast %mul3A_176 : i32 to index
          %swap3A_181 = tpu.vector_load %arg13[%swap3A_178, %swap3A_179, %swap3A_180] {strides = array<i32>} : memref<2x8x1024xf32, #tpu.memory_space<vmem>>, vector<16xf32>,
          tpu.vector_store %arg13[%swap3A_178, %swap3A_179, %swap3A_180], %gather3A_174 {strides = array<i32>} : memref<2x8x1024xf32, #tpu.memory_space<vmem>>, vector<16xf32>,
          %gather3A_182 = arith.constant 2016 : i32
          %gather3A_183 = tpu.memref_slice %arg9[%gather3A_182] : memref<16128xf32, #tpu.memory_space<vmem>> -> memref<2016xf32, #tpu.memory_space<vmem>>
          %gather3A_184 = tpu.vector_load_idx %gather3A_183[%get3A_172] : memref<2016xf32, #tpu.memory_space<vmem>>[vector<16xi32>], vector<16xf32>,
          %mul3A_185 = arith.constant 16 : i32
          %mul3A_186 = arith.muli %scan3A_167, %mul3A_185 : i32
          %swap3A_187 = arith.constant 0 : i32
          %swap3A_188 = arith.constant 1 : i32
          %swap3A_189 = arith.index_cast %swap3A_187 : i32 to index
          %swap3A_190 = arith.index_cast %swap3A_188 : i32 to index
          %swap3A_191 = arith.index_cast %mul3A_186 : i32 to index
          %swap3A_192 = tpu.vector_load %arg13[%swap3A_189, %swap3A_190, %swap3A_191] {strides = array<i32>} : memref<2x8x1024xf32, #tpu.memory_space<vmem>>, vector<16xf32>,
          tpu.vector_store %arg13[%swap3A_189, %swap3A_190, %swap3A_191], %gather3A_184 {strides = array<i32>} : memref<2x8x1024xf32, #tpu.memory_space<vmem>>, vector<16xf32>,
          %gather3A_193 = arith.constant 4032 : i32
          %gather3A_194 = tpu.memref_slice %arg9[%gather3A_193] : memref<16128xf32, #tpu.memory_space<vmem>> -> memref<2016xf32, #tpu.memory_space<vmem>>
          %gather3A_195 = tpu.vector_load_idx %gather3A_194[%get3A_172] : memref<2016xf32, #tpu.memory_space<vmem>>[vector<16xi32>], vector<16xf32>,
          %mul3A_196 = arith.constant 16 : i32
          %mul3A_197 = arith.muli %scan3A_167, %mul3A_196 : i32
          %swap3A_198 = arith.constant 0 : i32
          %swap3A_199 = arith.constant 2 : i32
          %swap3A_200 = arith.index_cast %swap3A_198 : i32 to index
          %swap3A_201 = arith.index_cast %swap3A_199 : i32 to index
          %swap3A_202 = arith.index_cast %mul3A_197 : i32 to index
          %swap3A_203 = tpu.vector_load %arg13[%swap3A_200, %swap3A_201, %swap3A_202] {strides = array<i32>} : memref<2x8x1024xf32, #tpu.memory_space<vmem>>, vector<16xf32>,
          tpu.vector_store %arg13[%swap3A_200, %swap3A_201, %swap3A_202], %gather3A_195 {strides = array<i32>} : memref<2x8x1024xf32, #tpu.memory_space<vmem>>, vector<16xf32>,
          %gather3A_204 = arith.constant 6048 : i32
          %gather3A_205 = tpu.memref_slice %arg9[%gather3A_204] : memref<16128xf32, #tpu.memory_space<vmem>> -> memref<2016xf32, #tpu.memory_space<vmem>>
          %gather3A_206 = tpu.vector_load_idx %gather3A_205[%get3A_172] : memref<2016xf32, #tpu.memory_space<vmem>>[vector<16xi32>], vector<16xf32>,
          %mul3A_207 = arith.constant 16 : i32
          %mul3A_208 = arith.muli %scan3A_167, %mul3A_207 : i32
          %swap3A_209 = arith.constant 0 : i32
          %swap3A_210 = arith.constant 3 : i32
          %swap3A_211 = arith.index_cast %swap3A_209 : i32 to index
          %swap3A_212 = arith.index_cast %swap3A_210 : i32 to index
          %swap3A_213 = arith.index_cast %mul3A_208 : i32 to index
          %swap3A_214 = tpu.vector_load %arg13[%swap3A_211, %swap3A_212, %swap3A_213] {strides = array<i32>} : memref<2x8x1024xf32, #tpu.memory_space<vmem>>, vector<16xf32>,
          tpu.vector_store %arg13[%swap3A_211, %swap3A_212, %swap3A_213], %gather3A_206 {strides = array<i32>} : memref<2x8x1024xf32, #tpu.memory_space<vmem>>, vector<16xf32>,
          %gather3A_215 = arith.constant 8064 : i32
          %gather3A_216 = tpu.memref_slice %arg9[%gather3A_215] : memref<16128xf32, #tpu.memory_space<vmem>> -> memref<2016xf32, #tpu.memory_space<vmem>>
          %gather3A_217 = tpu.vector_load_idx %gather3A_216[%get3A_172] : memref<2016xf32, #tpu.memory_space<vmem>>[vector<16xi32>], vector<16xf32>,
          %mul3A_218 = arith.constant 16 : i32
          %mul3A_219 = arith.muli %scan3A_167, %mul3A_218 : i32
          %swap3A_220 = arith.constant 0 : i32
          %swap3A_221 = arith.constant 4 : i32
          %swap3A_222 = arith.index_cast %swap3A_220 : i32 to index
          %swap3A_223 = arith.index_cast %swap3A_221 : i32 to index
          %swap3A_224 = arith.index_cast %mul3A_219 : i32 to index
          %swap3A_225 = tpu.vector_load %arg13[%swap3A_222, %swap3A_223, %swap3A_224] {strides = array<i32>} : memref<2x8x1024xf32, #tpu.memory_space<vmem>>, vector<16xf32>,
          tpu.vector_store %arg13[%swap3A_222, %swap3A_223, %swap3A_224], %gather3A_217 {strides = array<i32>} : memref<2x8x1024xf32, #tpu.memory_space<vmem>>, vector<16xf32>,
          %gather3A_226 = arith.constant 10080 : i32
          %gather3A_227 = tpu.memref_slice %arg9[%gather3A_226] : memref<16128xf32, #tpu.memory_space<vmem>> -> memref<2016xf32, #tpu.memory_space<vmem>>
          %gather3A_228 = tpu.vector_load_idx %gather3A_227[%get3A_172] : memref<2016xf32, #tpu.memory_space<vmem>>[vector<16xi32>], vector<16xf32>,
          %mul3A_229 = arith.constant 16 : i32
          %mul3A_230 = arith.muli %scan3A_167, %mul3A_229 : i32
          %swap3A_231 = arith.constant 0 : i32
          %swap3A_232 = arith.constant 5 : i32
          %swap3A_233 = arith.index_cast %swap3A_231 : i32 to index
          %swap3A_234 = arith.index_cast %swap3A_232 : i32 to index
          %swap3A_235 = arith.index_cast %mul3A_230 : i32 to index
          %swap3A_236 = tpu.vector_load %arg13[%swap3A_233, %swap3A_234, %swap3A_235] {strides = array<i32>} : memref<2x8x1024xf32, #tpu.memory_space<vmem>>, vector<16xf32>,
          tpu.vector_store %arg13[%swap3A_233, %swap3A_234, %swap3A_235], %gather3A_228 {strides = array<i32>} : memref<2x8x1024xf32, #tpu.memory_space<vmem>>, vector<16xf32>,
          %gather3A_237 = arith.constant 12096 : i32
          %gather3A_238 = tpu.memref_slice %arg9[%gather3A_237] : memref<16128xf32, #tpu.memory_space<vmem>> -> memref<2016xf32, #tpu.memory_space<vmem>>
          %gather3A_239 = tpu.vector_load_idx %gather3A_238[%get3A_172] : memref<2016xf32, #tpu.memory_space<vmem>>[vector<16xi32>], vector<16xf32>,
          %mul3A_240 = arith.constant 16 : i32
          %mul3A_241 = arith.muli %scan3A_167, %mul3A_240 : i32
          %swap3A_242 = arith.constant 0 : i32
          %swap3A_243 = arith.constant 6 : i32
          %swap3A_244 = arith.index_cast %swap3A_242 : i32 to index
          %swap3A_245 = arith.index_cast %swap3A_243 : i32 to index
          %swap3A_246 = arith.index_cast %mul3A_241 : i32 to index
          %swap3A_247 = tpu.vector_load %arg13[%swap3A_244, %swap3A_245, %swap3A_246] {strides = array<i32>} : memref<2x8x1024xf32, #tpu.memory_space<vmem>>, vector<16xf32>,
          tpu.vector_store %arg13[%swap3A_244, %swap3A_245, %swap3A_246], %gather3A_239 {strides = array<i32>} : memref<2x8x1024xf32, #tpu.memory_space<vmem>>, vector<16xf32>,
          %gather3A_248 = arith.constant 14112 : i32
          %gather3A_249 = tpu.memref_slice %arg9[%gather3A_248] : memref<16128xf32, #tpu.memory_space<vmem>> -> memref<2016xf32, #tpu.memory_space<vmem>>
          %gather3A_250 = tpu.vector_load_idx %gather3A_249[%get3A_172] : memref<2016xf32, #tpu.memory_space<vmem>>[vector<16xi32>], vector<16xf32>,
          %mul3A_251 = arith.constant 16 : i32
          %mul3A_252 = arith.muli %scan3A_167, %mul3A_251 : i32
          %swap3A_253 = arith.constant 0 : i32
          %swap3A_254 = arith.constant 7 : i32
          %swap3A_255 = arith.index_cast %swap3A_253 : i32 to index
          %swap3A_256 = arith.index_cast %swap3A_254 : i32 to index
          %swap3A_257 = arith.index_cast %mul3A_252 : i32 to index
          %swap3A_258 = tpu.vector_load %arg13[%swap3A_255, %swap3A_256, %swap3A_257] {strides = array<i32>} : memref<2x8x1024xf32, #tpu.memory_space<vmem>>, vector<16xf32>,
          tpu.vector_store %arg13[%swap3A_255, %swap3A_256, %swap3A_257], %gather3A_250 {strides = array<i32>} : memref<2x8x1024xf32, #tpu.memory_space<vmem>>, vector<16xf32>,
          %scan3A_259 = arith.constant 0 : i32
          scf.yield %scan3A_259 : i32
        }
        %scan3A_108 = arith.constant 64 : i32
        %mul3A_109 = arith.constant 2 : i32
        %mul3A_110 = arith.muli %mul3A_109, %scan3A_94 : i32
        %mul3A_111 = arith.constant 8 : i32
        %mul3A_112 = arith.muli %scan3A_47, %mul3A_111 : i32
        %mul3A_113 = arith.constant 1024 : i32
        %mul3A_114 = arith.muli %mul3A_110, %mul3A_113 : i32
        %dma_start3A = arith.constant 0 : i32
        %dma_start3A_115 = arith.constant 0 : i32
        %dma_start3A_116 = arith.constant 0 : i32
        %dma_start3A_117 = tpu.memref_slice %arg13[%dma_start3A, %dma_start3A_115, %dma_start3A_116] : memref<2x8x1024xf32, #tpu.memory_space<vmem>> -> memref<1x8x1024xf32, #tpu.memory_space<vmem>>
        %dma_start3A_118 = tpu.memref_squeeze %dma_start3A_117 : memref<1x8x1024xf32, #tpu.memory_space<vmem>> -> memref<8x1024xf32, #tpu.memory_space<vmem>>
        %dma_start3A_119 = tpu.memref_slice %arg6[%add3A_32, %mul3A_112, %mul3A_114] : memref<64x64x16384xf32, #tpu.memory_space<hbm>> -> memref<1x8x1024xf32, #tpu.memory_space<hbm>>
        %dma_start3A_120 = tpu.memref_squeeze %dma_start3A_119 : memref<1x8x1024xf32, #tpu.memory_space<hbm>> -> memref<8x1024xf32, #tpu.memory_space<hbm>>
        %dma_start3A_121 = tpu.memref_slice %arg6[%add3A_32, %mul3A_112, %mul3A_114] : memref<64x64x16384xf32, #tpu.memory_space<hbm>> -> memref<1x8x1024xf32, #tpu.memory_space<hbm>>
        %dma_start3A_122 = tpu.memref_squeeze %dma_start3A_121 : memref<1x8x1024xf32, #tpu.memory_space<hbm>> -> memref<8x1024xf32, #tpu.memory_space<hbm>>
        %dma_start3A_123 = arith.constant 0 : i32
        %dma_start3A_124 = arith.constant 0 : i32
        %dma_start3A_125 = tpu.memref_slice %arg13[%dma_start3A, %dma_start3A_123, %dma_start3A_124] : memref<2x8x1024xf32, #tpu.memory_space<vmem>> -> memref<1x8x1024xf32, #tpu.memory_space<vmem>>
        %dma_start3A_126 = tpu.memref_squeeze %dma_start3A_125 : memref<1x8x1024xf32, #tpu.memory_space<vmem>> -> memref<8x1024xf32, #tpu.memory_space<vmem>>
        tpu.enqueue_dma source(%dma_start3A_126 : memref<8x1024xf32, #tpu.memory_space<vmem>>) target(%dma_start3A_122 : memref<8x1024xf32, #tpu.memory_space<hbm>>) target_semaphore(%arg14 : memref<!tpu.dma_semaphore, #tpu.memory_space<semaphore_mem>>)
        %gt3A_127 = arith.constant 0 : i32
        %gt3A_128 = arith.cmpi sgt, %scan3A_94, %gt3A_127 : i32
        %convert_element_type3A_129 = arith.extui %gt3A_128 : i1 to i32
        %cond3A_130 = arith.constant 0 : i32
        %cond3A_131 = arith.cmpi ne, %convert_element_type3A_129, %cond3A_130 : i32
        scf.if %cond3A_131 {
          %dma_wait3A_167 = arith.constant 0 : i32
          %dma_wait3A_168 = arith.constant 0 : i32
          %dma_wait3A_169 = arith.constant 0 : i32
          %dma_wait3A_170 = tpu.memref_slice %arg13[%dma_wait3A_167, %dma_wait3A_168, %dma_wait3A_169] : memref<2x8x1024xf32, #tpu.memory_space<vmem>> -> memref<1x8x1024xf32, #tpu.memory_space<vmem>>
          %dma_wait3A_171 = tpu.memref_squeeze %dma_wait3A_170 : memref<1x8x1024xf32, #tpu.memory_space<vmem>> -> memref<8x1024xf32, #tpu.memory_space<vmem>>
          %dma_wait3A_172 = arith.constant 0 : i32
          %dma_wait3A_173 = arith.constant 0 : i32
          %dma_wait3A_174 = tpu.memref_slice %arg6[%add3A_32, %dma_wait3A_172, %dma_wait3A_173] : memref<64x64x16384xf32, #tpu.memory_space<hbm>> -> memref<1x8x1024xf32, #tpu.memory_space<hbm>>
          %dma_wait3A_175 = tpu.memref_squeeze %dma_wait3A_174 : memref<1x8x1024xf32, #tpu.memory_space<hbm>> -> memref<8x1024xf32, #tpu.memory_space<hbm>>
          %dma_wait3A_176 = arith.constant 0 : i32
          %dma_wait3A_177 = arith.constant 0 : i32
          %dma_wait3A_178 = tpu.memref_slice %arg6[%add3A_32, %dma_wait3A_176, %dma_wait3A_177] : memref<64x64x16384xf32, #tpu.memory_space<hbm>> -> memref<1x8x1024xf32, #tpu.memory_space<hbm>>
          %dma_wait3A_179 = tpu.memref_squeeze %dma_wait3A_178 : memref<1x8x1024xf32, #tpu.memory_space<hbm>> -> memref<8x1024xf32, #tpu.memory_space<hbm>>
          %dma_wait3A_180 = arith.constant 0 : i32
          %dma_wait3A_181 = arith.constant 0 : i32
          %dma_wait3A_182 = tpu.memref_slice %arg13[%dma_wait3A_167, %dma_wait3A_180, %dma_wait3A_181] : memref<2x8x1024xf32, #tpu.memory_space<vmem>> -> memref<1x8x1024xf32, #tpu.memory_space<vmem>>
          %dma_wait3A_183 = tpu.memref_squeeze %dma_wait3A_182 : memref<1x8x1024xf32, #tpu.memory_space<vmem>> -> memref<8x1024xf32, #tpu.memory_space<vmem>>
          tpu.wait_dma2 semaphore(%arg15 : memref<!tpu.dma_semaphore, #tpu.memory_space<semaphore_mem>>) src(%dma_wait3A_183 : memref<8x1024xf32, #tpu.memory_space<vmem>>) dst(%dma_wait3A_179 : memref<8x1024xf32, #tpu.memory_space<hbm>>)
        } else {
        }
        %mul3A_132 = arith.constant 2 : i32
        %mul3A_133 = arith.muli %mul3A_132, %scan3A_94 : i32
        %add3A_134 = arith.constant 1 : i32
        %add3A_135 = arith.addi %mul3A_133, %add3A_134 : i32
        %mul3A_136 = arith.constant 1024 : i32
        %mul3A_137 = arith.muli %add3A_135, %mul3A_136 : i32
        %scan3A_138 = arith.constant 0 : i32
        %scan3A_139 = arith.constant 0 : i32
        %scan3A_140 = arith.constant 64 : i32
        %scan3A_141 = arith.addi %scan3A_139, %scan3A_140 : i32
        %scan3A_142 = arith.constant 1 : i32
        %scan3A_143 = scf.for %scan3A_167 = %scan3A_139 to %scan3A_141 step %scan3A_142 iter_args(%scan3A_168 = %scan3A_138) -> (i32)  : i32 {
          %mul3A_169 = arith.constant 16 : i32
          %mul3A_170 = arith.muli %scan3A_167, %mul3A_169 : i32
          %add3A_171 = arith.addi %mul3A_137, %mul3A_170 : i32
          %get3A = arith.index_cast %add3A_171 : i32 to index
          %get3A_172 = tpu.vector_load %arg10[%get3A] {strides = array<i32>} : memref<16384xi32, #tpu.memory_space<vmem>>, vector<16xi32>,
          %gather3A = arith.constant 0 : i32
          %gather3A_173 = tpu.memref_slice %arg9[%gather3A] : memref<16128xf32, #tpu.memory_space<vmem>> -> memref<2016xf32, #tpu.memory_space<vmem>>
          %gather3A_174 = tpu.vector_load_idx %gather3A_173[%get3A_172] : memref<2016xf32, #tpu.memory_space<vmem>>[vector<16xi32>], vector<16xf32>,
          %mul3A_175 = arith.constant 16 : i32
          %mul3A_176 = arith.muli %scan3A_167, %mul3A_175 : i32
          %swap3A = arith.constant 1 : i32
          %swap3A_177 = arith.constant 0 : i32
          %swap3A_178 = arith.index_cast %swap3A : i32 to index
          %swap3A_179 = arith.index_cast %swap3A_177 : i32 to index
          %swap3A_180 = arith.index_cast %mul3A_176 : i32 to index
          %swap3A_181 = tpu.vector_load %arg13[%swap3A_178, %swap3A_179, %swap3A_180] {strides = array<i32>} : memref<2x8x1024xf32, #tpu.memory_space<vmem>>, vector<16xf32>,
          tpu.vector_store %arg13[%swap3A_178, %swap3A_179, %swap3A_180], %gather3A_174 {strides = array<i32>} : memref<2x8x1024xf32, #tpu.memory_space<vmem>>, vector<16xf32>,
          %gather3A_182 = arith.constant 2016 : i32
          %gather3A_183 = tpu.memref_slice %arg9[%gather3A_182] : memref<16128xf32, #tpu.memory_space<vmem>> -> memref<2016xf32, #tpu.memory_space<vmem>>
          %gather3A_184 = tpu.vector_load_idx %gather3A_183[%get3A_172] : memref<2016xf32, #tpu.memory_space<vmem>>[vector<16xi32>], vector<16xf32>,
          %mul3A_185 = arith.constant 16 : i32
          %mul3A_186 = arith.muli %scan3A_167, %mul3A_185 : i32
          %swap3A_187 = arith.constant 1 : i32
          %swap3A_188 = arith.constant 1 : i32
          %swap3A_189 = arith.index_cast %swap3A_187 : i32 to index
          %swap3A_190 = arith.index_cast %swap3A_188 : i32 to index
          %swap3A_191 = arith.index_cast %mul3A_186 : i32 to index
          %swap3A_192 = tpu.vector_load %arg13[%swap3A_189, %swap3A_190, %swap3A_191] {strides = array<i32>} : memref<2x8x1024xf32, #tpu.memory_space<vmem>>, vector<16xf32>,
          tpu.vector_store %arg13[%swap3A_189, %swap3A_190, %swap3A_191], %gather3A_184 {strides = array<i32>} : memref<2x8x1024xf32, #tpu.memory_space<vmem>>, vector<16xf32>,
          %gather3A_193 = arith.constant 4032 : i32
          %gather3A_194 = tpu.memref_slice %arg9[%gather3A_193] : memref<16128xf32, #tpu.memory_space<vmem>> -> memref<2016xf32, #tpu.memory_space<vmem>>
          %gather3A_195 = tpu.vector_load_idx %gather3A_194[%get3A_172] : memref<2016xf32, #tpu.memory_space<vmem>>[vector<16xi32>], vector<16xf32>,
          %mul3A_196 = arith.constant 16 : i32
          %mul3A_197 = arith.muli %scan3A_167, %mul3A_196 : i32
          %swap3A_198 = arith.constant 1 : i32
          %swap3A_199 = arith.constant 2 : i32
          %swap3A_200 = arith.index_cast %swap3A_198 : i32 to index
          %swap3A_201 = arith.index_cast %swap3A_199 : i32 to index
          %swap3A_202 = arith.index_cast %mul3A_197 : i32 to index
          %swap3A_203 = tpu.vector_load %arg13[%swap3A_200, %swap3A_201, %swap3A_202] {strides = array<i32>} : memref<2x8x1024xf32, #tpu.memory_space<vmem>>, vector<16xf32>,
          tpu.vector_store %arg13[%swap3A_200, %swap3A_201, %swap3A_202], %gather3A_195 {strides = array<i32>} : memref<2x8x1024xf32, #tpu.memory_space<vmem>>, vector<16xf32>,
          %gather3A_204 = arith.constant 6048 : i32
          %gather3A_205 = tpu.memref_slice %arg9[%gather3A_204] : memref<16128xf32, #tpu.memory_space<vmem>> -> memref<2016xf32, #tpu.memory_space<vmem>>
          %gather3A_206 = tpu.vector_load_idx %gather3A_205[%get3A_172] : memref<2016xf32, #tpu.memory_space<vmem>>[vector<16xi32>], vector<16xf32>,
          %mul3A_207 = arith.constant 16 : i32
          %mul3A_208 = arith.muli %scan3A_167, %mul3A_207 : i32
          %swap3A_209 = arith.constant 1 : i32
          %swap3A_210 = arith.constant 3 : i32
          %swap3A_211 = arith.index_cast %swap3A_209 : i32 to index
          %swap3A_212 = arith.index_cast %swap3A_210 : i32 to index
          %swap3A_213 = arith.index_cast %mul3A_208 : i32 to index
          %swap3A_214 = tpu.vector_load %arg13[%swap3A_211, %swap3A_212, %swap3A_213] {strides = array<i32>} : memref<2x8x1024xf32, #tpu.memory_space<vmem>>, vector<16xf32>,
          tpu.vector_store %arg13[%swap3A_211, %swap3A_212, %swap3A_213], %gather3A_206 {strides = array<i32>} : memref<2x8x1024xf32, #tpu.memory_space<vmem>>, vector<16xf32>,
          %gather3A_215 = arith.constant 8064 : i32
          %gather3A_216 = tpu.memref_slice %arg9[%gather3A_215] : memref<16128xf32, #tpu.memory_space<vmem>> -> memref<2016xf32, #tpu.memory_space<vmem>>
          %gather3A_217 = tpu.vector_load_idx %gather3A_216[%get3A_172] : memref<2016xf32, #tpu.memory_space<vmem>>[vector<16xi32>], vector<16xf32>,
          %mul3A_218 = arith.constant 16 : i32
          %mul3A_219 = arith.muli %scan3A_167, %mul3A_218 : i32
          %swap3A_220 = arith.constant 1 : i32
          %swap3A_221 = arith.constant 4 : i32
          %swap3A_222 = arith.index_cast %swap3A_220 : i32 to index
          %swap3A_223 = arith.index_cast %swap3A_221 : i32 to index
          %swap3A_224 = arith.index_cast %mul3A_219 : i32 to index
          %swap3A_225 = tpu.vector_load %arg13[%swap3A_222, %swap3A_223, %swap3A_224] {strides = array<i32>} : memref<2x8x1024xf32, #tpu.memory_space<vmem>>, vector<16xf32>,
          tpu.vector_store %arg13[%swap3A_222, %swap3A_223, %swap3A_224], %gather3A_217 {strides = array<i32>} : memref<2x8x1024xf32, #tpu.memory_space<vmem>>, vector<16xf32>,
          %gather3A_226 = arith.constant 10080 : i32
          %gather3A_227 = tpu.memref_slice %arg9[%gather3A_226] : memref<16128xf32, #tpu.memory_space<vmem>> -> memref<2016xf32, #tpu.memory_space<vmem>>
          %gather3A_228 = tpu.vector_load_idx %gather3A_227[%get3A_172] : memref<2016xf32, #tpu.memory_space<vmem>>[vector<16xi32>], vector<16xf32>,
          %mul3A_229 = arith.constant 16 : i32
          %mul3A_230 = arith.muli %scan3A_167, %mul3A_229 : i32
          %swap3A_231 = arith.constant 1 : i32
          %swap3A_232 = arith.constant 5 : i32
          %swap3A_233 = arith.index_cast %swap3A_231 : i32 to index
          %swap3A_234 = arith.index_cast %swap3A_232 : i32 to index
          %swap3A_235 = arith.index_cast %mul3A_230 : i32 to index
          %swap3A_236 = tpu.vector_load %arg13[%swap3A_233, %swap3A_234, %swap3A_235] {strides = array<i32>} : memref<2x8x1024xf32, #tpu.memory_space<vmem>>, vector<16xf32>,
          tpu.vector_store %arg13[%swap3A_233, %swap3A_234, %swap3A_235], %gather3A_228 {strides = array<i32>} : memref<2x8x1024xf32, #tpu.memory_space<vmem>>, vector<16xf32>,
          %gather3A_237 = arith.constant 12096 : i32
          %gather3A_238 = tpu.memref_slice %arg9[%gather3A_237] : memref<16128xf32, #tpu.memory_space<vmem>> -> memref<2016xf32, #tpu.memory_space<vmem>>
          %gather3A_239 = tpu.vector_load_idx %gather3A_238[%get3A_172] : memref<2016xf32, #tpu.memory_space<vmem>>[vector<16xi32>], vector<16xf32>,
          %mul3A_240 = arith.constant 16 : i32
          %mul3A_241 = arith.muli %scan3A_167, %mul3A_240 : i32
          %swap3A_242 = arith.constant 1 : i32
          %swap3A_243 = arith.constant 6 : i32
          %swap3A_244 = arith.index_cast %swap3A_242 : i32 to index
          %swap3A_245 = arith.index_cast %swap3A_243 : i32 to index
          %swap3A_246 = arith.index_cast %mul3A_241 : i32 to index
          %swap3A_247 = tpu.vector_load %arg13[%swap3A_244, %swap3A_245, %swap3A_246] {strides = array<i32>} : memref<2x8x1024xf32, #tpu.memory_space<vmem>>, vector<16xf32>,
          tpu.vector_store %arg13[%swap3A_244, %swap3A_245, %swap3A_246], %gather3A_239 {strides = array<i32>} : memref<2x8x1024xf32, #tpu.memory_space<vmem>>, vector<16xf32>,
          %gather3A_248 = arith.constant 14112 : i32
          %gather3A_249 = tpu.memref_slice %arg9[%gather3A_248] : memref<16128xf32, #tpu.memory_space<vmem>> -> memref<2016xf32, #tpu.memory_space<vmem>>
          %gather3A_250 = tpu.vector_load_idx %gather3A_249[%get3A_172] : memref<2016xf32, #tpu.memory_space<vmem>>[vector<16xi32>], vector<16xf32>,
          %mul3A_251 = arith.constant 16 : i32
          %mul3A_252 = arith.muli %scan3A_167, %mul3A_251 : i32
          %swap3A_253 = arith.constant 1 : i32
          %swap3A_254 = arith.constant 7 : i32
          %swap3A_255 = arith.index_cast %swap3A_253 : i32 to index
          %swap3A_256 = arith.index_cast %swap3A_254 : i32 to index
          %swap3A_257 = arith.index_cast %mul3A_252 : i32 to index
          %swap3A_258 = tpu.vector_load %arg13[%swap3A_255, %swap3A_256, %swap3A_257] {strides = array<i32>} : memref<2x8x1024xf32, #tpu.memory_space<vmem>>, vector<16xf32>,
          tpu.vector_store %arg13[%swap3A_255, %swap3A_256, %swap3A_257], %gather3A_250 {strides = array<i32>} : memref<2x8x1024xf32, #tpu.memory_space<vmem>>, vector<16xf32>,
          %scan3A_259 = arith.constant 0 : i32
          scf.yield %scan3A_259 : i32
        }
        %scan3A_144 = arith.constant 64 : i32
        %mul3A_145 = arith.constant 2 : i32
        %mul3A_146 = arith.muli %mul3A_145, %scan3A_94 : i32
        %add3A_147 = arith.constant 1 : i32
        %add3A_148 = arith.addi %mul3A_146, %add3A_147 : i32
        %mul3A_149 = arith.constant 8 : i32
        %mul3A_150 = arith.muli %scan3A_47, %mul3A_149 : i32
        %mul3A_151 = arith.constant 1024 : i32
        %mul3A_152 = arith.muli %add3A_148, %mul3A_151 : i32
        %dma_start3A_153 = arith.constant 1 : i32
        %dma_start3A_154 = arith.constant 0 : i32
        %dma_start3A_155 = arith.constant 0 : i32
        %dma_start3A_156 = tpu.memref_slice %arg13[%dma_start3A_153, %dma_start3A_154, %dma_start3A_155] : memref<2x8x1024xf32, #tpu.memory_space<vmem>> -> memref<1x8x1024xf32, #tpu.memory_space<vmem>>
        %dma_start3A_157 = tpu.memref_squeeze %dma_start3A_156 : memref<1x8x1024xf32, #tpu.memory_space<vmem>> -> memref<8x1024xf32, #tpu.memory_space<vmem>>
        %dma_start3A_158 = tpu.memref_slice %arg6[%add3A_32, %mul3A_150, %mul3A_152] : memref<64x64x16384xf32, #tpu.memory_space<hbm>> -> memref<1x8x1024xf32, #tpu.memory_space<hbm>>
        %dma_start3A_159 = tpu.memref_squeeze %dma_start3A_158 : memref<1x8x1024xf32, #tpu.memory_space<hbm>> -> memref<8x1024xf32, #tpu.memory_space<hbm>>
        %dma_start3A_160 = tpu.memref_slice %arg6[%add3A_32, %mul3A_150, %mul3A_152] : memref<64x64x16384xf32, #tpu.memory_space<hbm>> -> memref<1x8x1024xf32, #tpu.memory_space<hbm>>
        %dma_start3A_161 = tpu.memref_squeeze %dma_start3A_160 : memref<1x8x1024xf32, #tpu.memory_space<hbm>> -> memref<8x1024xf32, #tpu.memory_space<hbm>>
        %dma_start3A_162 = arith.constant 0 : i32
        %dma_start3A_163 = arith.constant 0 : i32
        %dma_start3A_164 = tpu.memref_slice %arg13[%dma_start3A_153, %dma_start3A_162, %dma_start3A_163] : memref<2x8x1024xf32, #tpu.memory_space<vmem>> -> memref<1x8x1024xf32, #tpu.memory_space<vmem>>
        %dma_start3A_165 = tpu.memref_squeeze %dma_start3A_164 : memref<1x8x1024xf32, #tpu.memory_space<vmem>> -> memref<8x1024xf32, #tpu.memory_space<vmem>>
        tpu.enqueue_dma source(%dma_start3A_165 : memref<8x1024xf32, #tpu.memory_space<vmem>>) target(%dma_start3A_161 : memref<8x1024xf32, #tpu.memory_space<hbm>>) target_semaphore(%arg15 : memref<!tpu.dma_semaphore, #tpu.memory_space<semaphore_mem>>)
        %scan3A_166 = arith.constant 0 : i32
        scf.yield %scan3A_166 : i32
      }
      %scan3A_59 = arith.constant 8 : i32
      %dma_wait3A = arith.constant 0 : i32
      %dma_wait3A_60 = arith.constant 0 : i32
      %dma_wait3A_61 = arith.constant 0 : i32
      %dma_wait3A_62 = tpu.memref_slice %arg13[%dma_wait3A, %dma_wait3A_60, %dma_wait3A_61] : memref<2x8x1024xf32, #tpu.memory_space<vmem>> -> memref<1x8x1024xf32, #tpu.memory_space<vmem>>
      %dma_wait3A_63 = tpu.memref_squeeze %dma_wait3A_62 : memref<1x8x1024xf32, #tpu.memory_space<vmem>> -> memref<8x1024xf32, #tpu.memory_space<vmem>>
      %dma_wait3A_64 = arith.constant 0 : i32
      %dma_wait3A_65 = arith.constant 0 : i32
      %dma_wait3A_66 = tpu.memref_slice %arg6[%add3A_32, %dma_wait3A_64, %dma_wait3A_65] : memref<64x64x16384xf32, #tpu.memory_space<hbm>> -> memref<1x8x1024xf32, #tpu.memory_space<hbm>>
      %dma_wait3A_67 = tpu.memref_squeeze %dma_wait3A_66 : memref<1x8x1024xf32, #tpu.memory_space<hbm>> -> memref<8x1024xf32, #tpu.memory_space<hbm>>
      %dma_wait3A_68 = arith.constant 0 : i32
      %dma_wait3A_69 = arith.constant 0 : i32
      %dma_wait3A_70 = tpu.memref_slice %arg6[%add3A_32, %dma_wait3A_68, %dma_wait3A_69] : memref<64x64x16384xf32, #tpu.memory_space<hbm>> -> memref<1x8x1024xf32, #tpu.memory_space<hbm>>
      %dma_wait3A_71 = tpu.memref_squeeze %dma_wait3A_70 : memref<1x8x1024xf32, #tpu.memory_space<hbm>> -> memref<8x1024xf32, #tpu.memory_space<hbm>>
      %dma_wait3A_72 = arith.constant 0 : i32
      %dma_wait3A_73 = arith.constant 0 : i32
      %dma_wait3A_74 = tpu.memref_slice %arg13[%dma_wait3A, %dma_wait3A_72, %dma_wait3A_73] : memref<2x8x1024xf32, #tpu.memory_space<vmem>> -> memref<1x8x1024xf32, #tpu.memory_space<vmem>>
      %dma_wait3A_75 = tpu.memref_squeeze %dma_wait3A_74 : memref<1x8x1024xf32, #tpu.memory_space<vmem>> -> memref<8x1024xf32, #tpu.memory_space<vmem>>
      tpu.wait_dma2 semaphore(%arg14 : memref<!tpu.dma_semaphore, #tpu.memory_space<semaphore_mem>>) src(%dma_wait3A_75 : memref<8x1024xf32, #tpu.memory_space<vmem>>) dst(%dma_wait3A_71 : memref<8x1024xf32, #tpu.memory_space<hbm>>)
      %dma_wait3A_76 = arith.constant 0 : i32
      %dma_wait3A_77 = arith.constant 0 : i32
      %dma_wait3A_78 = arith.constant 0 : i32
      %dma_wait3A_79 = tpu.memref_slice %arg13[%dma_wait3A_76, %dma_wait3A_77, %dma_wait3A_78] : memref<2x8x1024xf32, #tpu.memory_space<vmem>> -> memref<1x8x1024xf32, #tpu.memory_space<vmem>>
      %dma_wait3A_80 = tpu.memref_squeeze %dma_wait3A_79 : memref<1x8x1024xf32, #tpu.memory_space<vmem>> -> memref<8x1024xf32, #tpu.memory_space<vmem>>
      %dma_wait3A_81 = arith.constant 0 : i32
      %dma_wait3A_82 = arith.constant 0 : i32
      %dma_wait3A_83 = tpu.memref_slice %arg6[%add3A_32, %dma_wait3A_81, %dma_wait3A_82] : memref<64x64x16384xf32, #tpu.memory_space<hbm>> -> memref<1x8x1024xf32, #tpu.memory_space<hbm>>
      %dma_wait3A_84 = tpu.memref_squeeze %dma_wait3A_83 : memref<1x8x1024xf32, #tpu.memory_space<hbm>> -> memref<8x1024xf32, #tpu.memory_space<hbm>>
      %dma_wait3A_85 = arith.constant 0 : i32
      %dma_wait3A_86 = arith.constant 0 : i32
      %dma_wait3A_87 = tpu.memref_slice %arg6[%add3A_32, %dma_wait3A_85, %dma_wait3A_86] : memref<64x64x16384xf32, #tpu.memory_space<hbm>> -> memref<1x8x1024xf32, #tpu.memory_space<hbm>>
      %dma_wait3A_88 = tpu.memref_squeeze %dma_wait3A_87 : memref<1x8x1024xf32, #tpu.memory_space<hbm>> -> memref<8x1024xf32, #tpu.memory_space<hbm>>
      %dma_wait3A_89 = arith.constant 0 : i32
      %dma_wait3A_90 = arith.constant 0 : i32
      %dma_wait3A_91 = tpu.memref_slice %arg13[%dma_wait3A_76, %dma_wait3A_89, %dma_wait3A_90] : memref<2x8x1024xf32, #tpu.memory_space<vmem>> -> memref<1x8x1024xf32, #tpu.memory_space<vmem>>
      %dma_wait3A_92 = tpu.memref_squeeze %dma_wait3A_91 : memref<1x8x1024xf32, #tpu.memory_space<vmem>> -> memref<8x1024xf32, #tpu.memory_space<vmem>>
      tpu.wait_dma2 semaphore(%arg15 : memref<!tpu.dma_semaphore, #tpu.memory_space<semaphore_mem>>) src(%dma_wait3A_92 : memref<8x1024xf32, #tpu.memory_space<vmem>>) dst(%dma_wait3A_88 : memref<8x1024xf32, #tpu.memory_space<hbm>>)
      %scan3A_93 = arith.constant 0 : i32
      scf.yield %scan3A_93 : i32
    }
    %scan3A_46 = arith.constant 8 : i32
    return
  }
}

</mosaic_0001>

<sc_bundles>
// kernel: _run.3.cloned.1.call-start
scs
__scs_entry_jumppad:
0x0: {  	(pc) =	sbr.rel $0x88, $3  }
0x1: {  	(tag) =	ssettag $0x0;
	lr =	simm.s32 $0x1  }
0x2: {  	[smem:$0x3F9D] =	sst lr;
	_ =	strace $0xD0000000  }
0x3: {  	_ = 	snop  }
0x4: {  	_ = 	snop  }
0x5: {  	_ = 	snop  }
0x6: {  	_ = 	snop  }
0x7: {  	_ = 	snop  }
__scs_overlays_trampoline_lowered:
0x8: {  	[smem:$0x3FAC] =	sst s0  }
0x9: {  	[smem:$0x3FAD] =	sst s1  }
0xa: {  	[smem:$0x3FAE] =	sst s2  }
0xb: {  	[smem:$0x3FAF] =	sst s3  }
0xc: {  	[smem:$0x3FB0] =	sst s4  }
0xd: {  	[smem:$0x3FB1] =	sst s5  }
0xe: {  	[smem:$0x3FB2] =	sst s6  }
0xf: {  	[smem:$0x3FB3] =	sst s7  }
0x10: {  	[smem:$0x3FB4] =	sst s8  }
0x11: {  	[smem:$0x3FB5] =	sst s9;
	s0 =	simm.s32 @!p0 $0x0  }
0x12: {  	s1 =	sld [smem:$0x3F9B];
	s0 =	simm.s32 @p0 $0x1  }
0x13: {  	[smem:$0x3FB6] =	sst s0;
	s0 =	simm.s32 @!p1 $0x0  }
0x14: {  	s2 =	sld [smem:$0x3F9A];
	s0 =	simm.s32 @p1 $0x1  }
0x15: {  	[smem:$0x3FB7] =	sst s0;
	s0 =	simm.s32 @!p2 $0x0  }
0x16: {  	s3 =	sld [smem:$0x3FDB];
	s0 =	simm.s32 @p2 $0x1  }
0x17: {  	s4 =	simm.s32 $0x1BF5;
	[smem:$0x3FB9] =	sst s0  }
0x18: {  	s0 =	sld [smem:$0x3F9C];
	_ =	swait.ge [sflag:s4], $0x0  }
0x19: {  	s7 =	sld [smem:$0x3F9D]  }
0x1a: {  	s8 =	sadd.s32 $0xFFFFE003, lr  }
0x1b: {  	s9 =	sadd.s32 $0xFFFFFEF7, lr;
	s5 =	simm.s32 $0xFFFFFFFF;
	p2 =	slt.u32 s8, $0xFFFFF086  }
0x1c: {  	p1 =	slt.u32 s9, $0xF7A;
	s5 =	simm.s32 @!p2 $0x0  }
0x1d: {  	s5 =	simm.s32 @p1 $0x1;
	p0 =	seq.s32 s7, s2  }
0x1e: {  	s7 =	smul.u32 @!p0 $0xF7A, s2;
	p2 =	seq.s32 @!p0 s5, $0x0  }
0x1f: {  	s9 =	smul.u32 $0xF7A, s1;
	s8 =	simm.s32 @!p0 $0x1BF5;
	p2 =	por !p2, p0  }
0x20: {  	[sflag:s8] =	ssyncset.s32 @!p0 $0xFFFFF086;
	s6 =	sadd.s32 @!p0 s3, s7;
	s7 =	simm.s32 @!p0 $0x108  }
0x21: {  	s3 =	sadd.s32 s3, s9;
	s6 =	sadd.s32 @!p0 $0x88, s6;
	s7 =	simm.s32 @p2 $0x1082  }
0x22: {  	[simem:s7], [sflag:s8] =	dma.local @!p0 [hbm:s6], $0xF7A  }
0x23: {  	s9 =	sor.u32 $0xD0000000, s2;
	s6 =	simm.s32 $0x108;
	_ =	swait.ge @!p0 [sflag:s8], $0x0  }
0x24: {  	s3 =	sadd.s32 $0x88, s3;
	s6 =	simm.s32 @!p1 $0x1082;
	[sflag:s4] =	ssyncset.s32 $0xFFFFF086  }
0x25: {  	[simem:s6], [sflag:s4] =	dma.local [hbm:s3], $0xF7A  }
0x26: {  	[smem:$0x3F9D] =	sst s1;
	(tag) =	ssettag s2;
	_ =	strace s9  }
0x27: {  	s1 =	sld [smem:$0x3FAD]  }
0x28: {  	s2 =	sld [smem:$0x3FAE]  }
0x29: {  	s4 =	sld [smem:$0x3FB0]  }
0x2a: {  	p0 =	seq.s32 s5, $0x0;
	s5 =	sld [smem:$0x3FB1]  }
0x2b: {  	s6 =	sld [smem:$0x3FB2]  }
0x2c: {  	s7 =	sld [smem:$0x3FB3]  }
0x2d: {  	s3 =	simm.s32 $0x108;
	s8 =	sld [smem:$0x3FB4]  }
0x2e: {  	s3 =	simm.s32 @!p0 $0x1082;
	s9 =	sld [smem:$0x3FB5]  }
0x2f: {  	lr =	sadd.s32 s0, s3;
	s0 =	sld [smem:$0x3FAC]  }
0x30: {  	s3 =	sld [smem:$0x3FAF]  }
0x31: {  	[smem:$0x3FB8] =	sst s10  }
0x32: {  	s10 =	sld [smem:$0x3FB6];
	_ =	sdelay $0x3  }
0x33: {  	p0 =	seq.s32 s10, $0x1;
	s10 =	sld [smem:$0x3FB8];
	_ =	sdelay $0x3  }
0x34: {  	[smem:$0x3FB8] =	sst s10  }
0x35: {  	s10 =	sld [smem:$0x3FB7];
	_ =	sdelay $0x3  }
0x36: {  	p1 =	seq.s32 s10, $0x1;
	s10 =	sld [smem:$0x3FB8];
	_ =	sdelay $0x3  }
0x37: {  	[smem:$0x3FB8] =	sst s10  }
0x38: {  	s10 =	sld [smem:$0x3FB9]  }
0x39: {  	_ = 	snop;
	(pc) =	sbr.ind lr, $3  }
0x3a: {  	_ = 	snop  }
0x3b: {  	_ = 	snop  }
0x3c: {  	p2 =	seq.s32 s10, $0x1;
	s10 =	sld [smem:$0x3FB8]  }
0x3d: {  	_ =	shalt  }
0x3e: {  	_ =	shalt  }
0x3f: {  	_ =	shalt  }
0x40: {  	_ =	shalt  }
0x41: {  	_ =	shalt  }
0x42: {  	_ =	shalt  }
0x43: {  	_ =	shalt  }
0x44: {  	_ =	shalt  }
0x45: {  	_ =	shalt  }
0x46: {  	_ =	shalt  }
0x47: {  	_ =	shalt  }
0x48: {  	_ =	shalt  }
0x49: {  	_ =	shalt  }
0x4a: {  	_ =	shalt  }
0x4b: {  	_ =	shalt  }
0x4c: {  	_ =	shalt  }
0x4d: {  	_ =	shalt  }
0x4e: {  	_ =	shalt  }
0x4f: {  	_ =	shalt  }
0x50: {  	_ =	shalt  }
0x51: {  	_ =	shalt  }
0x52: {  	_ =	shalt  }
0x53: {  	_ =	shalt  }
0x54: {  	_ =	shalt  }
0x55: {  	_ =	shalt  }
0x56: {  	_ =	shalt  }
0x57: {  	_ =	shalt  }
0x58: {  	_ =	shalt  }
0x59: {  	_ =	shalt  }
0x5a: {  	_ =	shalt  }
0x5b: {  	_ =	shalt  }
0x5c: {  	_ =	shalt  }
0x5d: {  	_ =	shalt  }
0x5e: {  	_ =	shalt  }
0x5f: {  	_ =	shalt  }
0x60: {  	_ =	shalt  }
0x61: {  	_ =	shalt  }
0x62: {  	_ =	shalt  }
0x63: {  	_ =	shalt  }
0x64: {  	_ =	shalt  }
0x65: {  	_ =	shalt  }
0x66: {  	_ =	shalt  }
0x67: {  	_ =	shalt  }
0x68: {  	_ =	shalt  }
0x69: {  	_ =	shalt  }
0x6a: {  	_ =	shalt  }
0x6b: {  	_ =	shalt  }
0x6c: {  	_ =	shalt  }
0x6d: {  	_ =	shalt  }
0x6e: {  	_ =	shalt  }
0x6f: {  	_ =	shalt  }
0x70: {  	_ =	shalt  }
0x71: {  	_ =	shalt  }
0x72: {  	_ =	shalt  }
0x73: {  	_ =	shalt  }
0x74: {  	_ =	shalt  }
0x75: {  	_ =	shalt  }
0x76: {  	_ =	shalt  }
0x77: {  	_ =	shalt  }
0x78: {  	_ =	shalt  }
0x79: {  	_ =	shalt  }
0x7a: {  	_ =	shalt  }
0x7b: {  	_ =	shalt  }
0x7c: {  	_ =	shalt  }
0x7d: {  	_ =	shalt  }
0x7e: {  	_ =	shalt  }
0x7f: {  	_ =	shalt  }
0x80: {  	_ =	shalt  }
0x81: {  	_ =	shalt  }
0x82: {  	_ =	shalt  }
0x83: {  	_ =	shalt  }
0x84: {  	_ =	shalt  }
0x85: {  	_ =	shalt  }
0x86: {  	_ =	shalt  }
0x87: {  	_ =	shalt  }
.Lfunc_end0:
.L_simem_size_0:
called_computation_lowered:
.L_overlay_start_0:
0x88: {  	s2 =	sld [smem:$0x3FD9]  }
0x89: {  	s3 =	sld [smem:$0x3FFE];
	_ =	sdelay $0x1  }
0x8a: {  	s1 =	srdreg.scid  }
0x8b: {  	s0 =	sand.u32 $0x1, s1  }
0x8c: {  	s17 =	sshll.u32 s0, $0xA;
	s2 =	sadd.s32 s3, s2  }
0x8d: {  	s2 =	sadd.s32 s2, s17  }
0x8e: {  	[smem:$0x3FC4] =	sst s2  }
0x8f: {  	_ = 	snop  }
0x90: {  	s2 =	sld [smem:$0x3FC9]  }
0x91: {  	s18 =	sld [smem:$0x3FC8]  }
0x92: {  	s4 =	sld [smem:$0x3FD0];
	(tm) =	ssettm $0x1  }
0x93: {  	s5 =	sld [smem:$0x3FFB];
	_ =	sdelay $0x3  }
0x94: {  	_ =	strace s5  }
0x95: {  	s5 =	sld [smem:$0x3FFC];
	_ =	sdelay $0x3  }
0x96: {  	_ =	strace s5  }
0x97: {  	s5 =	sld [smem:$0x3FFD];
	_ =	sdelay $0x3  }
0x98: {  	_ =	strace s5  }
0x99: {  	_ =	strace $0x8FFFFFFF  }
0x9a: {  	s19 =	sld [smem:$0x3FDB];
	_ =	sdelay $0x1  }
0x9b: {  	s6 =	simm.s32 $_scs_section_size  }
0x9c: {  	s7 =	simm.s32 $_size__tile_overlayer_lowered;
	s8 =	simm.s32 $_tile_overlayer_lowered  }
0x9d: {  	s22 =	simm.s32 $0x1BFF;
	s21 =	sshll.u32 s8, $0x1;
	s5 =	sadd.s32 s6, s19  }
0x9e: {  	s9 =	simm.s32 $0x0;
	s20 =	sshll.u32 s7, $0x1;
	s7 =	sadd.s32 s21, s5  }
0x9f: {  	[timem:s9], [sflag:s22] =	dma.local [hbm:s7], s20  }
0xa0: {  	_ =	swait.ge [sflag:s22], s20  }
0xa1: {  	s6 =	ssub.s32 $0x0, s20;
	[sflag:s22] =	ssyncset.done $0x0  }
0xa2: {  	[sflag:s22] =	ssyncadd.s32 s6;
	_ =	sdelay $0x1  }
0xa3: {  	s23 =	simm.s32 $0x1B8B  }
0xa4: {  	_ =	swait.ge [sflag:s23], $0x1  }
0xa5: {  	[sflag:s23] =	ssyncset.done $0x0  }
0xa6: {  	s25 =	simm.s32 $0x1B8E;
	s24 =	sld [smem:$0x3FFE];
	[sflag:s23] =	ssyncadd.s32 $0xFFFFFFFF  }
0xa7: {  	s26 =	simm.s32 $execute0_lowered;
	[smem:$0x3FD2] =	sst s25  }
0xa8: {  	s7 =	sshll.u32 s26, $0x1;
	_ =	strace $0x80000046;
	[dreg:$0x1] =	wrdreg $0xFFFFFFFF  }
0xa9: {  	s28 =	simm.s32 $_size_execute0_lowered;
	s5 =	sadd.s32 s5, s7;
	[dreg:$0x0] =	wrdreg $0x0  }
0xaa: {  	s7 =	sshll.u32 s28, $0x1;
	[dreg:$0x2] =	wrdreg s5  }
0xab: {  	[dreg:$0x3] =	wrdreg s7  }
0xac: {  	[dreg:$0x4] =	wrdreg $0xC0  }
0xad: {  	_ =	task [dreg:s9], $0x5FFFF  }
0xae: {  	[dreg:$0x1] =	wrdreg $0xFFFFFFFF  }
0xaf: {  	[dreg:$0x0] =	wrdreg $0x60  }
0xb0: {  	[dreg:$0x2] =	wrdreg s2  }
0xb1: {  	[dreg:$0x3] =	wrdreg s18  }
0xb2: {  	[dreg:$0x4] =	wrdreg s24  }
0xb3: {  	[dreg:$0x5] =	wrdreg s4  }
0xb4: {  	[dreg:$0x6] =	wrdreg $0x189000  }
0xb5: {  	[dreg:$0x7] =	wrdreg $0x9  }
0xb6: {  	_ =	task.clear_ibuf [dreg:s9], $0x8FFFF;
	_ =	strace $0x90000046  }
0xb7: {  	s29 =	simm.s32 $0x9;
	_ =	strace $0x80000048  }
0xb8: {  	_ =	swait.ge [sflag:s29], $0x1  }
0xb9: {  	[sflag:s29] =	ssyncadd.s32 $0xFFFFFFFF  }
0xba: {  	_ =	strace $0x90000048  }
0xbb: {  	_ =	sfence  }
0xbc: {  	s30 =	sld [smem:$0x0];
	_ =	sdelay $0x2  }
0xbd: {  	s31 =	sshll.u32 s1, $0xD;
	s1 =	sshrl.u32 s1, $0x2  }
0xbe: {  	s3 =	sand.u32 $0x4000, s31;
	s1 =	sadd.s32 s1, s30  }
0xbf: {  	s0 =	sor.u32 s3, s0;
	s1 =	sshll.u32 s1, $0x11  }
0xc0: {  	s0 =	sor.u32 s1, s0  }
0xc1: {  	s0 =	sadd.s32 $0x8F2B, s0  }
0xc2: {  	[sflag:s0] =	ssyncadd.remote.s32 $0x1  }
0xc3: {  	_ =	sfence.sel $0xFFFF  }
0xc4: {  	[dreg:$0x0] =	wrdreg $0xFFFFFFFF;
	(pc) =	sbr.abs _section_cstart, $3  }
0xc5: {  	[dreg:$0x1] =	wrdreg $0xFFFFFFFF  }
0xc6: {  	_ =	task.clear_ibuf [dreg:s9], $0x2FFFF;
	_ =	strace $0x9FFFFFFF  }
0xc7: {  	(tm) =	ssettm $0x7FFFFFFF  }
tec
execute0_lowered:
.L_overlay_start_1:
0x0: {  	(tag) =	ssettag $0x1  }
0x1: {  	s0 =	rddreg [dreg:$0x0]  }
0x2: {  	s2 =	rddreg [dreg:$0x1]  }
0x3: {  	s4 =	rddreg [dreg:$0x2]  }
0x4: {  	s1 =	rddreg [dreg:$0x3]  }
0x5: {  	s15 =	rddreg [dreg:$0x4];
	s3 =	simm.s32 $0x0;
	s5 =	srdreg.scid  }
0x6: {  	s13 =	stileid.u32;
	s16 =	simm.s32 $0x4800;
	s28 =	simm.s32 $0x7940  }
0x7: {  	s29 =	simm.s32 $0x8120;
	s30 =	simm.s32 $0x14900;
	s31 =	simm.s32 $0x16900  }
0x8: {  	[smem:$0x7FF] =	sst s3;
	s5 =	sand.u32 $0x1, s5;
	s6 =	sadd.s32 $0x600, s4  }
0x9: {  	s4 =	sadd.s32 $0x400, s4;
	s7 =	sshll.u32 s13, $0x2;
	s9 =	smul.u32 $0x7E00, s13  }
0xa: {  	s10 =	sshll.u32 s13, $0x10;
	_ =	strace $0x80000047;
	[dreg:$0x6] =	wrdreg s6  }
0xb: {  	s14 =	sshllo.u32 s13, $0x2;
	s17 =	ssub.s32 $0x2, s5;
	[dreg:$0x7] =	wrdreg s4  }
0xc: {  	s19 =	sor.u32 $0x1, s7;
	s5 =	sshll.u32 s5, $0x1;
	s8 =	sor.u32 $0x2, s7  }
0xd: {  	s18 =	sshrl.u32 s17, $0x1;
	s5 =	sor.u32 s5, s7;
	s9 =	sshrl.u32 s9, $0x2  }
0xe: {  	s4 =	ssub.s32 s17, s18;
	s11 =	sshll.u32 s5, $0x7;
	s12 =	sor.u32 $0x1, s5  }
0xf: {  	s9 =	sadd.s32 s9, s15;
	s5 =	sshll.u32 s5, $0x14;
	s17 =	simm.s32 $0x4A00  }
0x10: {  	s11 =	sor.u32 s10, s11;
	s20 =	sshll.u32 s12, $0x7;
	[dreg:$0x8] =	wrdreg s9  }
0x11: {  	[dreg:$0xb] =	wrdreg s5;
	s26 =	smax.u32 s4, $0x1;
	s4 =	simm.s32 $0x2  }
0x12: {  	s5 =	simm.s32 $0x0;
	s11 =	sand.u32 $0xE0300, s11;
	s13 =	sor.u32 s10, s20  }
0x13: {  	s10 =	smov.u32 s15;
	[dreg:$0xe] =	wrdreg s26;
	s15 =	simm.s32 $0x3  }
0x14: {  	s26 =	simm.s32 $0x7160;
	s21 =	sshrl.u32 s11, $0x3;
	s22 =	sand.u32 $0xE0380, s13  }
0x15: {  	s13 =	sshll.u32 s12, $0x14;
	s23 =	sadd.s32 s0, s21;
	s9 =	sadd.s32 s2, s21  }
0x16: {  	s24 =	sshrl.u32 s22, $0x3;
	s22 =	simm.s32 $0x51E0;
	[dreg:$0x9] =	wrdreg s23  }
0x17: {  	[dreg:$0xa] =	wrdreg s9;
	s0 =	sadd.s32 s0, s24;
	s25 =	sadd.s32 s2, s24  }
0x18: {  	v4 =	vlaneseq.u32;
	v0 =	vmov s7;
	s23 =	simm.s32 $0x59C0;
	s24 =	simm.s32 $0x61A0;
	[dreg:$0xc] =	wrdreg s0  }
0x19: {  	v3 =	vmov s14;
	v1 =	vmov s19;
	v2 =	vmov s8;
	[dreg:$0xd] =	wrdreg s25;
	s25 =	simm.s32 $0x6980;
	s0 =	simm.s32 $0x1  }
.LBB2_1:
0x1a: {  	v5 =	vor.u32 s3, v4  }
0x1b: {  	v6 =	vmulhi.u32 $0x24924925, v5;
	_ =	sdelay $0x1  }
0x1c: {  	v7 =	vsub.s32 v5, v6  }
0x1d: {  	v7 =	vshrl.u32 v7, $0x1  }
0x1e: {  	[dreg:$0xf] =	wrdreg s5;
	v6 =	vadd.s32 v6, v7  }
0x1f: {  	s2 =	rddreg [dreg:$0x6];
	v6 =	vshrl.u32 v6, $0x2  }
0x20: {  	[tilespmem:s3], [sflag:$0x3] =	stream.linear.gather [hbm4b:s2+s3], $0x4800, $0x38;
	v7 =	vmul.u32 $0x3FFFFF9, v6;
	[tilespmem:$0x1A880] =	vst v63  }
0x21: {  	_ =	swait.ge [sflag:s15], $0x4800  }
0x22: {  	[sflag:s15] =	ssyncset.done $0x0;
	v6 =	vshll.u32 v6, $0x6;
	v5 =	vadd.s32 v5, v7  }
0x23: {  	s20 =	rddreg [dreg:$0x7];
	[sflag:s15] =	ssyncadd.s32 $0xFFFFB800;
	v7 =	vor.u32 v0, v6;
	v5 =	vshll.u32 v5, $0x6  }
0x24: {  	[tilespmem:s16], [sflag:$0x3] =	stream.linear.gather [hbm4b:s20+s3], $0x200, $0x38;
	v8 =	vor.u32 v0, v5;
	[tilespmem:$0x1A880] =	vst v63  }
0x25: {  	_ =	swait.ge [sflag:s15], $0x200  }
0x26: {  	[sflag:s15] =	ssyncset.done $0x0  }
0x27: {  	[sflag:s15] =	ssyncadd.s32 $0xFFFFFE00  }
0x28: {  	v7 =	vld.idx.msk [tilespmem:v7+s3+$0x0], $0xffff  }
0x29: {  	v8 =	vld.idx.msk [tilespmem:v8+s16+$0x0], $0xffff;
	_ =	sdelay $0x2  }
0x2a: {  	v9 =	vor.u32 v1, v6  }
0x2b: {  	v10 =	vor.u32 v1, v5  }
0x2c: {  	v7 =	vadd.f32 v8, v7;
	_ =	sdelay $0x1  }
0x2d: {  	[tilespmem:s23+$0xFFFFF040] =	vst v7  }
0x2e: {  	v7 =	vld.idx.msk [tilespmem:v9+s3+$0x0], $0xffff  }
0x2f: {  	v8 =	vld.idx.msk [tilespmem:v10+s16+$0x0], $0xffff;
	_ =	sdelay $0x2  }
0x30: {  	v9 =	vor.u32 v2, v6  }
0x31: {  	v10 =	vor.u32 v2, v5  }
0x32: {  	v7 =	vadd.f32 v8, v7;
	_ =	sdelay $0x1  }
0x33: {  	s21 =	simm.s32 $0x10;
	[tilespmem:s23+$0xFFFFF820] =	vst v7  }
0x34: {  	v8 =	vor.u32 s21, v4;
	v7 =	vld.idx.msk [tilespmem:v9+s3+$0x0], $0xffff  }
0x35: {  	v9 =	vld.idx.msk [tilespmem:v10+s16+$0x0], $0xffff;
	v10 =	vmulhi.u32 $0x24924925, v8;
	_ =	sdelay $0x1  }
0x36: {  	v11 =	vsub.s32 v8, v10  }
0x37: {  	v6 =	vor.u32 v3, v6;
	v11 =	vshrl.u32 v11, $0x1  }
0x38: {  	v10 =	vadd.s32 v10, v11;
	v11 =	vor.u32 v3, v5  }
0x39: {  	v5 =	vadd.f32 v9, v7  }
0x3a: {  	v9 =	vshrl.u32 v10, $0x2  }
0x3b: {  	v10 =	vmul.u32 $0x3FFFFF9, v9;
	[tilespmem:s23+$0x0] =	vst v5  }
0x3c: {  	v7 =	vld.idx.msk [tilespmem:v6+s3+$0x0], $0xffff  }
0x3d: {  	v6 =	vadd.s32 v8, v10;
	v8 =	vld.idx.msk [tilespmem:v11+s16+$0x0], $0xffff  }
0x3e: {  	v5 =	vshll.u32 v9, $0x6  }
0x3f: {  	s7 =	simm.s32 $0x20;
	s6 =	simm.s32 $0x59C0;
	s8 =	simm.s32 $0x59C0;
	v9 =	vor.u32 v0, v5;
	v6 =	vshll.u32 v6, $0x6  }
.LBB2_2:
0x40: {  	p0 =	sne.s32 s7, $0x7D0  }
0x41: {  	v10 =	vor.u32 v0, v6;
	s6 =	sadd.s32 $0x10, s6;
	s2 =	smov.u32 s7;
	s7 =	sadd.s32 $0x10, s7  }
0x42: {  	v7 =	vadd.f32 v8, v7;
	_ =	sdelay $0x1  }
0x43: {  	[tilespmem:s8+$0x7E0] =	vst v7;
	s8 =	smov.u32 s6  }
0x44: {  	v7 =	vld.idx.msk [tilespmem:v9+s3+$0x0], $0xffff  }
0x45: {  	v8 =	vld.idx.msk [tilespmem:v10+s16+$0x0], $0xffff;
	_ =	sdelay $0x3  }
0x46: {  	v9 =	vor.u32 v1, v5;
	v10 =	vor.u32 v1, v6;
	_ =	sdelay $0x1  }
0x47: {  	v7 =	vadd.f32 v8, v7;
	_ =	sdelay $0x1  }
0x48: {  	[tilespmem:s6+$0xFFFFF040] =	vst v7  }
0x49: {  	v7 =	vld.idx.msk [tilespmem:v9+s3+$0x0], $0xffff  }
0x4a: {  	v8 =	vld.idx.msk [tilespmem:v10+s16+$0x0], $0xffff;
	_ =	sdelay $0x3  }
0x4b: {  	v9 =	vor.u32 v2, v5;
	v10 =	vor.u32 v2, v6;
	_ =	sdelay $0x1  }
0x4c: {  	v7 =	vadd.f32 v8, v7;
	_ =	sdelay $0x1  }
0x4d: {  	[tilespmem:s6+$0xFFFFF820] =	vst v7  }
0x4e: {  	v7 =	vld.idx.msk [tilespmem:v9+s3+$0x0], $0xffff  }
0x4f: {  	v8 =	vld.idx.msk [tilespmem:v10+s16+$0x0], $0xffff;
	_ =	sdelay $0x3  }
0x50: {  	v5 =	vor.u32 v3, v5;
	v6 =	vor.u32 v3, v6;
	v9 =	vor.u32 s2, v4  }
0x51: {  	v10 =	vmulhi.u32 $0x24924925, v9  }
0x52: {  	v7 =	vadd.f32 v8, v7  }
0x53: {  	v8 =	vsub.s32 v9, v10  }
0x54: {  	v8 =	vshrl.u32 v8, $0x1;
	[tilespmem:s6+$0x0] =	vst v7  }
0x55: {  	v8 =	vadd.s32 v10, v8;
	v7 =	vld.idx.msk [tilespmem:v5+s3+$0x0], $0xffff  }
.Ltmp0:
0x56: {  	v5 =	vshrl.u32 v8, $0x2;
	v8 =	vld.idx.msk [tilespmem:v6+s16+$0x0], $0xffff;
	(pc) =	sbr.rel @p0 .LBB2_2-.Ltmp0, $3  }
0x57: {  	v6 =	vmul.u32 $0x3FFFFF9, v5;
	v5 =	vshll.u32 v5, $0x6;
	_ =	sdelay $0x1  }
0x58: {  	v6 =	vadd.s32 v9, v6  }
0x59: {  	v9 =	vor.u32 v0, v5;
	v6 =	vshll.u32 v6, $0x6  }
0x5a: {  	v10 =	vor.u32 v0, v6  }
0x5b: {  	v7 =	vadd.f32 v8, v7;
	_ =	sdelay $0x1  }
0x5c: {  	[tilespmem:s8+$0x7E0] =	vst v7  }
0x5d: {  	v7 =	vld.idx.msk [tilespmem:v9+s3+$0x0], $0xffff  }
0x5e: {  	v8 =	vld.idx.msk [tilespmem:v10+s16+$0x0], $0xffff;
	_ =	sdelay $0x2  }
0x5f: {  	v60 =	vor.u32 v1, v5  }
0x60: {  	v61 =	vor.u32 v1, v6  }
0x61: {  	v7 =	vadd.f32 v8, v7  }
0x62: {  	s2 =	sadd.s32 $0x10, s6  }
0x63: {  	[tilespmem:s2+$0xFFFFF040] =	vst v7  }
0x64: {  	v7 =	vld.idx.msk [tilespmem:v60+s3+$0x0], $0xffff  }
0x65: {  	v8 =	vld.idx.msk [tilespmem:v61+s16+$0x0], $0xffff;
	_ =	sdelay $0x2  }
0x66: {  	v62 =	vor.u32 v2, v5  }
0x67: {  	v63 =	vor.u32 v2, v6  }
0x68: {  	v7 =	vadd.f32 v8, v7;
	_ =	sdelay $0x1  }
0x69: {  	[tilespmem:s2+$0xFFFFF820] =	vst v7  }
0x6a: {  	v7 =	vld.idx.msk [tilespmem:v62+s3+$0x0], $0xffff  }
0x6b: {  	v8 =	vld.idx.msk [tilespmem:v63+s16+$0x0], $0xffff;
	_ =	sdelay $0x2  }
0x6c: {  	v5 =	vor.u32 v3, v5  }
0x6d: {  	v6 =	vor.u32 v3, v6  }
0x6e: {  	v7 =	vadd.f32 v8, v7;
	_ =	sdelay $0x1  }
0x6f: {  	[tilespmem:s2+$0x0] =	vst v7  }
0x70: {  	v5 =	vld.idx.msk [tilespmem:v5+s3+$0x0], $0xffff  }
0x71: {  	v6 =	vld.idx.msk [tilespmem:v6+s16+$0x0], $0xffff;
	_ =	sdelay $0x4  }
0x72: {  	v5 =	vadd.f32 v6, v5;
	_ =	sdelay $0x1  }
0x73: {  	s14 =	rddreg [dreg:$0x8];
	[tilespmem:s2+$0x7E0] =	vst v5  }
0x74: {  	[spmem:s14] =	stream.linear.scatter [tilespmem:s17], [sflag:$0x3], $0x1F80, $0x38;
	[tilespmem:$0x1A880] =	vst v63  }
0x75: {  	_ =	swait.ge [sflag:s15], $0x1F80  }
0x76: {  	[sflag:s15] =	ssyncset.done $0x0  }
0x77: {  	[sflag:s15] =	ssyncadd.s32 $0xFFFFE080  }
0x78: {  	s5 =	simm.s32 $0x80;
	[bflag:$0x0] =	sbarrier.arrive $0xFFFF  }
0x79: {  	s19 =	simm.s32 $0x400;
	s7 =	simm.s32 $0xC900;
	s18 =	rddreg [dreg:$0x9]  }
0x7a: {  	[tilespmem:s7], [sflag:$0x3] =	stream.strided.gather [hbm4b:s18+s5], $0x4000, s19, s5, $0x38;
	[tilespmem:$0x1A880] =	vst v63  }
0x7b: {  	_ =	swait.ge [sflag:s15], $0x4000  }
0x7c: {  	[sflag:s15] =	ssyncset.done $0x0  }
0x7d: {  	s21 =	simm.s32 $0x10900;
	s20 =	rddreg [dreg:$0xa];
	[sflag:s15] =	ssyncadd.s32 $0xFFFFC000  }
0x7e: {  	[tilespmem:s21], [sflag:$0x3] =	stream.strided.gather [hbm4b:s20+s5], $0x4000, s19, s5, $0x38;
	[tilespmem:$0x1A880] =	vst v63  }
0x7f: {  	_ =	swait.ge [sflag:s15], $0x4000  }
0x80: {  	[sflag:s15] =	ssyncset.done $0x0  }
0x81: {  	s7 =	simm.s32 $0x0;
	[sflag:s15] =	ssyncadd.s32 $0xFFFFC000  }
0x82: {  	v5 =	vld [tilespmem:s7+$0xC900];
	_ =	sdelay $0x4  }
0x83: {  	v5 =	vmul.f32 $2.880000000e+02, v5  }
0x84: {  	s8 =	simm.s32 $0x10  }
0x85: {  	v6 =	vld [tilespmem:s8+$0xC900];
	v5 =	vtrunc.f32 v5  }
0x86: {  	v7 =	vcvt.f32.s32 v5;
	v5 =	vld [tilespmem:s7+$0x10900];
	_ =	sdelay $0x2  }
0x87: {  	s6 =	simm.s32 $0x0;
	s5 =	simm.s32 $0x80;
	vm0 =	vgt.s32 v7, $0x0  }
.LBB2_4:
0x88: {  	s2 =	sshra.s32 s5, $0x2;
	p0 =	sne.s32 s5, $0xFFC0;
	s5 =	sadd.s32 $0x40, s5;
	v8 =	vmul.f32 $2.880000000e+02, v6;
	v7 =	vnsel vm0, $0x0, v7  }
.Ltmp1:
0x89: {  	v6 =	vld [tilespmem:s2+$0xC900];
	v7 =	vmin.u32 v7, $0x11F;
	vm0 =	vgt.s32 v5, $0x0;
	(pc) =	sbr.rel @p0 .LBB2_4-.Ltmp1, $4  }
0x8a: {  	v8 =	vtrunc.f32 v8;
	v9 =	vnsel vm0, $0x0, v5;
	v5 =	vld [tilespmem:s8+$0x10900];
	v10 =	vmul.u32 $0x7, v7  }
0x8b: {  	v7 =	vcvt.f32.s32 v8;
	v8 =	vmin.u32 v9, $0x6  }
0x8c: {  	v8 =	vadd.s32 v8, v10  }
0x8d: {  	vm0 =	vgt.s32 v7, $0x0;
	[tilespmem:s7+$0x8900] =	vst v8;
	s7 =	smov.u32 s8;
	s8 =	smov.u32 s2  }
0x8e: {  	v6 =	vmul.f32 $2.880000000e+02, v6;
	_ =	sdelay $0x1  }
0x8f: {  	v8 =	vld [tilespmem:s8+$0x10900];
	v6 =	vtrunc.f32 v6  }
0x90: {  	v6 =	vcvt.f32.s32 v6;
	_ =	sdelay $0x1  }
0x91: {  	v7 =	vnsel vm0, $0x0, v7;
	vm14 =	vgt.s32 v5, $0x0;
	vm1 =	vgt.s32 v6, $0x0  }
0x92: {  	v7 =	vmin.u32 v7, $0x11F;
	v5 =	vnsel vm14, $0x0, v5;
	v6 =	vnsel vm1, $0x0, v6  }
0x93: {  	v7 =	vmul.u32 $0x7, v7;
	vm15 =	vgt.s32 v8, $0x0;
	v6 =	vmin.u32 v6, $0x11F  }
0x94: {  	v5 =	vmin.u32 v5, $0x6;
	v8 =	vnsel vm15, $0x0, v8;
	v6 =	vmul.u32 $0x7, v6  }
0x95: {  	v5 =	vadd.s32 v5, v7;
	v7 =	vmin.u32 v8, $0x6  }
0x96: {  	[tilespmem:s7+$0x8900] =	vst v5;
	v5 =	vadd.s32 v7, v6  }
0x97: {  	[tilespmem:s8+$0x8900] =	vst v5  }
.LBB2_6:
0x98: {  	s2 =	smul.u32 $0xFC00, s6;
	_ =	sdelay $0x1  }
0x99: {  	s2 =	sshra.s32 s2, $0x2  }
0x9a: {  	s2 =	sadd.s32 s2, s10  }
0x9b: {  	[tilespmem:s17], [sflag:$0x3] =	stream.linear.gather [spmem:s2], $0x3F00, $0x38;
	[tilespmem:$0x1A880] =	vst v63  }
0x9c: {  	_ =	swait.ge [sflag:s15], $0x3F00  }
0x9d: {  	s21 =	sshll.u32 s6, $0x11;
	s5 =	rddreg [dreg:$0xb]  }
0x9e: {  	s20 =	sadd.s32 s5, s21  }
0x9f: {  	s8 =	simm.s32 $0x0;
	[sflag:s15] =	ssyncset.done $0x0;
	s2 =	sshrl.u32 s20, $0x3  }
0xa0: {  	[sflag:s15] =	ssyncadd.s32 $0xFFFFC100;
	s21 =	simm.s32 $0x0;
	s7 =	sadd.s32 s1, s2  }
.LBB2_7:
0xa1: {  	p0 =	seq.s32 s8, $0x0;
	s9 =	sshll.u32 s8, $0xB  }
0xa2: {  	s2 =	simm.s32 @!p0 $0x1;
	s5 =	sand.u32 $0x3FFFF800, s9  }
0xa3: {  	s14 =	sand.u32 $0x380, s21;
	_ =	swait.ge @!p0 [sflag:s2], $0x2000;
	s12 =	sadd.s32 $0x8900, s5  }
0xa4: {  	s11 =	sand.u32 $0x70, s21;
	[sflag:s2] =	ssyncset.done @!p0 $0x0;
	s5 =	sadd.s32 s14, s12  }
0xa5: {  	[sflag:s2] =	ssyncadd.s32 @!p0 $0xFFFFE000;
	s18 =	sadd.s32 s11, s5  }
0xa6: {  	v5 =	vld [tilespmem:s18+$0x0];
	_ =	sdelay $0x7  }
0xa7: {  	v6 =	vld.idx.msk [tilespmem:v5+s17+$0x0], $0xffff;
	_ =	sdelay $0x2  }
0xa8: {  	s19 =	sand.u32 $0x1C00, s21  }
0xa9: {  	s2 =	sor.u32 s11, s19  }
0xaa: {  	[tilespmem:s2+$0x14900] =	vst v6  }
0xab: {  	v6 =	vld.idx.msk [tilespmem:v5+s22+$0x0], $0xffff;
	_ =	sdelay $0x3  }
0xac: {  	s2 =	sadd.s32 $0x14900, s2  }
0xad: {  	[tilespmem:s2+$0x80] =	vst v6  }
0xae: {  	v6 =	vld.idx.msk [tilespmem:v5+s23+$0x0], $0xffff;
	_ =	sdelay $0x4  }
0xaf: {  	[tilespmem:s2+$0x100] =	vst v6  }
0xb0: {  	v6 =	vld.idx.msk [tilespmem:v5+s24+$0x0], $0xffff;
	_ =	sdelay $0x4  }
0xb1: {  	[tilespmem:s2+$0x180] =	vst v6  }
0xb2: {  	v6 =	vld.idx.msk [tilespmem:v5+s25+$0x0], $0xffff;
	_ =	sdelay $0x4  }
0xb3: {  	[tilespmem:s2+$0x200] =	vst v6  }
0xb4: {  	v6 =	vld.idx.msk [tilespmem:v5+s26+$0x0], $0xffff;
	_ =	sdelay $0x4  }
0xb5: {  	[tilespmem:s2+$0x280] =	vst v6  }
0xb6: {  	v6 =	vld.idx.msk [tilespmem:v5+s28+$0x0], $0xffff;
	_ =	sdelay $0x4  }
0xb7: {  	[tilespmem:s2+$0x300] =	vst v6  }
0xb8: {  	v5 =	vld.idx.msk [tilespmem:v5+s29+$0x0], $0xffff;
	_ =	sdelay $0x1  }
0xb9: {  	s14 =	simm.s32 $0x0;
	s11 =	simm.s32 $0x10;
	s19 =	sor.u32 s21, s21  }
0xba: {  	s5 =	sand.u32 $0x70, s11;
	s18 =	simm.s32 $0x20;
	s2 =	sand.u32 $0x380, s11  }
.LBB2_8:
0xbb: {  	p1 =	sne.s32 s18, $0x3F0;
	s2 =	sadd.s32 s2, s12;
	s19 =	sor.u32 $0x380, s19  }
0xbc: {  	s2 =	sadd.s32 s5, s2;
	[tilespmem:s19+$0x14900] =	vst v5;
	s19 =	smov.u32 s11;
	s11 =	smov.u32 s18  }
0xbd: {  	v5 =	vld [tilespmem:s2+$0x0];
	_ =	sdelay $0x7  }
0xbe: {  	v6 =	vld.idx.msk [tilespmem:v5+s17+$0x0], $0xffff;
	_ =	sdelay $0x2  }
0xbf: {  	s14 =	sadd.s32 $0x80, s14  }
0xc0: {  	s2 =	sand.u32 $0x1C00, s14  }
0xc1: {  	s2 =	sor.u32 s5, s2  }
0xc2: {  	[tilespmem:s2+$0x14900] =	vst v6  }
0xc3: {  	v6 =	vld.idx.msk [tilespmem:v5+s22+$0x0], $0xffff;
	_ =	sdelay $0x4  }
0xc4: {  	s2 =	sadd.s32 $0x14900, s2  }
0xc5: {  	[tilespmem:s2+$0x80] =	vst v6  }
0xc6: {  	v6 =	vld.idx.msk [tilespmem:v5+s23+$0x0], $0xffff;
	_ =	sdelay $0x5  }
0xc7: {  	[tilespmem:s2+$0x100] =	vst v6  }
0xc8: {  	v6 =	vld.idx.msk [tilespmem:v5+s24+$0x0], $0xffff;
	_ =	sdelay $0x5  }
0xc9: {  	[tilespmem:s2+$0x180] =	vst v6  }
0xca: {  	v6 =	vld.idx.msk [tilespmem:v5+s25+$0x0], $0xffff;
	_ =	sdelay $0x5  }
0xcb: {  	[tilespmem:s2+$0x200] =	vst v6  }
0xcc: {  	v6 =	vld.idx.msk [tilespmem:v5+s26+$0x0], $0xffff;
	_ =	sdelay $0x5  }
0xcd: {  	[tilespmem:s2+$0x280] =	vst v6  }
0xce: {  	v6 =	vld.idx.msk [tilespmem:v5+s28+$0x0], $0xffff;
	_ =	sdelay $0x5  }
0xcf: {  	[tilespmem:s2+$0x300] =	vst v6  }
.Ltmp2:
0xd0: {  	v5 =	vld.idx.msk [tilespmem:v5+s29+$0x0], $0xffff;
	(pc) =	sbr.rel @p1 .LBB2_8-.Ltmp2, $3  }
0xd1: {  	_ =	sdelay $0x1  }
0xd2: {  	s5 =	sand.u32 $0x70, s18  }
0xd3: {  	s19 =	sor.u32 s14, s19;
	s18 =	sadd.s32 $0x10, s18;
	s2 =	sand.u32 $0x380, s11  }
0xd4: {  	s2 =	sadd.s32 s2, s12;
	s19 =	sor.u32 $0x380, s19  }
0xd5: {  	s2 =	sadd.s32 s5, s2;
	[tilespmem:s19+$0x14900] =	vst v5  }
0xd6: {  	v5 =	vld [tilespmem:s2+$0x0];
	_ =	sdelay $0x7  }
0xd7: {  	v6 =	vld.idx.msk [tilespmem:v5+s17+$0x0], $0xffff;
	_ =	sdelay $0x1  }
0xd8: {  	s18 =	sadd.s32 $0x80, s14  }
0xd9: {  	s19 =	sand.u32 $0x1C00, s18  }
0xda: {  	s12 =	sor.u32 s5, s19  }
0xdb: {  	[tilespmem:s12+$0x14900] =	vst v6  }
0xdc: {  	v6 =	vld.idx.msk [tilespmem:v5+s22+$0x0], $0xffff;
	_ =	sdelay $0x3  }
0xdd: {  	s5 =	sadd.s32 $0x14900, s12  }
0xde: {  	[tilespmem:s5+$0x80] =	vst v6  }
0xdf: {  	v6 =	vld.idx.msk [tilespmem:v5+s23+$0x0], $0xffff;
	_ =	sdelay $0x4  }
0xe0: {  	[tilespmem:s5+$0x100] =	vst v6  }
0xe1: {  	v6 =	vld.idx.msk [tilespmem:v5+s24+$0x0], $0xffff;
	_ =	sdelay $0x4  }
0xe2: {  	[tilespmem:s5+$0x180] =	vst v6  }
0xe3: {  	v6 =	vld.idx.msk [tilespmem:v5+s25+$0x0], $0xffff;
	_ =	sdelay $0x4  }
0xe4: {  	[tilespmem:s5+$0x200] =	vst v6  }
0xe5: {  	v6 =	vld.idx.msk [tilespmem:v5+s26+$0x0], $0xffff;
	_ =	sdelay $0x4  }
0xe6: {  	[tilespmem:s5+$0x280] =	vst v6  }
0xe7: {  	v6 =	vld.idx.msk [tilespmem:v5+s28+$0x0], $0xffff;
	_ =	sdelay $0x4  }
0xe8: {  	[tilespmem:s5+$0x300] =	vst v6  }
0xe9: {  	v5 =	vld.idx.msk [tilespmem:v5+s29+$0x0], $0xffff;
	_ =	sdelay $0x1  }
0xea: {  	s14 =	sshll.u32 s8, $0xE  }
0xeb: {  	s2 =	sor.u32 s18, s11;
	s5 =	sadd.s32 s20, s14  }
0xec: {  	s2 =	sor.u32 $0x380, s2;
	s5 =	sshrl.u32 s5, $0x3  }
0xed: {  	s11 =	simm.s32 $0x0;
	s18 =	sadd.s32 s1, s5;
	[tilespmem:s2+$0x14900] =	vst v5;
	s2 =	simm.s32 @!p0 $0x2  }
0xee: {  	[hbm4b:s18+s3] =	stream.linear.scatter [tilespmem:s30], [sflag:$0x1], $0x2000, $0x38;
	[tilespmem:$0x1A880] =	vst v63  }
0xef: {  	s19 =	sand.u32 $0x380, s11;
	s12 =	sadd.s32 $0x8D00, s9;
	_ =	swait.ge @!p0 [sflag:s2], $0x2000  }
0xf0: {  	s14 =	sand.u32 $0x70, s11;
	s5 =	sadd.s32 s19, s12;
	[sflag:s2] =	ssyncset.done @!p0 $0x0  }
0xf1: {  	s18 =	sadd.s32 s14, s5;
	[sflag:s2] =	ssyncadd.s32 @!p0 $0xFFFFE000  }
0xf2: {  	v5 =	vld [tilespmem:s18+$0x0];
	_ =	sdelay $0x7  }
0xf3: {  	v6 =	vld.idx.msk [tilespmem:v5+s17+$0x0], $0xffff;
	_ =	sdelay $0x2  }
0xf4: {  	s19 =	sand.u32 $0x1C00, s11  }
0xf5: {  	s14 =	sor.u32 s14, s19  }
0xf6: {  	[tilespmem:s14+$0x16900] =	vst v6  }
0xf7: {  	v6 =	vld.idx.msk [tilespmem:v5+s22+$0x0], $0xffff;
	_ =	sdelay $0x4  }
0xf8: {  	[tilespmem:s14+$0x16980] =	vst v6  }
0xf9: {  	v6 =	vld.idx.msk [tilespmem:v5+s23+$0x0], $0xffff;
	_ =	sdelay $0x4  }
0xfa: {  	[tilespmem:s14+$0x16A00] =	vst v6  }
0xfb: {  	v6 =	vld.idx.msk [tilespmem:v5+s24+$0x0], $0xffff;
	_ =	sdelay $0x4  }
0xfc: {  	[tilespmem:s14+$0x16A80] =	vst v6  }
0xfd: {  	v6 =	vld.idx.msk [tilespmem:v5+s25+$0x0], $0xffff;
	_ =	sdelay $0x4  }
0xfe: {  	[tilespmem:s14+$0x16B00] =	vst v6  }
0xff: {  	v6 =	vld.idx.msk [tilespmem:v5+s26+$0x0], $0xffff;
	_ =	sdelay $0x4  }
0x100: {  	[tilespmem:s14+$0x16B80] =	vst v6  }
0x101: {  	v6 =	vld.idx.msk [tilespmem:v5+s28+$0x0], $0xffff;
	_ =	sdelay $0x4  }
0x102: {  	[tilespmem:s14+$0x16C00] =	vst v6  }
0x103: {  	v5 =	vld.idx.msk [tilespmem:v5+s29+$0x0], $0xffff;
	_ =	sdelay $0x1  }
0x104: {  	s18 =	simm.s32 $0x10  }
0x105: {  	s9 =	sor.u32 $0x400, s9;
	s19 =	simm.s32 $0x20;
	s2 =	sand.u32 $0x380, s18  }
.LBB2_10:
0x106: {  	p0 =	sne.s32 s19, $0x3F0;
	s5 =	sand.u32 $0x70, s18;
	s2 =	sadd.s32 s2, s12  }
0x107: {  	s18 =	smov.u32 s19;
	s2 =	sadd.s32 s5, s2;
	[tilespmem:s14+$0x16C80] =	vst v5  }
0x108: {  	v5 =	vld [tilespmem:s2+$0x0];
	_ =	sdelay $0x7  }
0x109: {  	v6 =	vld.idx.msk [tilespmem:v5+s17+$0x0], $0xffff;
	_ =	sdelay $0x2  }
0x10a: {  	s11 =	sadd.s32 $0x80, s11  }
0x10b: {  	s2 =	sand.u32 $0x1C00, s11  }
0x10c: {  	s14 =	sor.u32 s5, s2  }
0x10d: {  	[tilespmem:s14+$0x16900] =	vst v6  }
0x10e: {  	v6 =	vld.idx.msk [tilespmem:v5+s22+$0x0], $0xffff;
	_ =	sdelay $0x5  }
0x10f: {  	[tilespmem:s14+$0x16980] =	vst v6  }
0x110: {  	v6 =	vld.idx.msk [tilespmem:v5+s23+$0x0], $0xffff;
	_ =	sdelay $0x5  }
0x111: {  	[tilespmem:s14+$0x16A00] =	vst v6  }
0x112: {  	v6 =	vld.idx.msk [tilespmem:v5+s24+$0x0], $0xffff;
	_ =	sdelay $0x5  }
0x113: {  	[tilespmem:s14+$0x16A80] =	vst v6  }
0x114: {  	v6 =	vld.idx.msk [tilespmem:v5+s25+$0x0], $0xffff;
	_ =	sdelay $0x5  }
0x115: {  	[tilespmem:s14+$0x16B00] =	vst v6  }
0x116: {  	v6 =	vld.idx.msk [tilespmem:v5+s26+$0x0], $0xffff;
	_ =	sdelay $0x5  }
0x117: {  	[tilespmem:s14+$0x16B80] =	vst v6  }
0x118: {  	v6 =	vld.idx.msk [tilespmem:v5+s28+$0x0], $0xffff;
	_ =	sdelay $0x5  }
0x119: {  	[tilespmem:s14+$0x16C00] =	vst v6  }
.Ltmp3:
0x11a: {  	v5 =	vld.idx.msk [tilespmem:v5+s29+$0x0], $0xffff;
	(pc) =	sbr.rel @p0 .LBB2_10-.Ltmp3, $2  }
0x11b: {  	_ =	sdelay $0x2  }
0x11c: {  	s19 =	sadd.s32 $0x10, s19;
	s2 =	sand.u32 $0x380, s18  }
0x11d: {  	s5 =	sand.u32 $0x70, s18;
	s2 =	sadd.s32 s2, s12  }
0x11e: {  	[tilespmem:s14+$0x16C80] =	vst v5;
	s2 =	sadd.s32 s5, s2  }
0x11f: {  	v5 =	vld [tilespmem:s2+$0x0];
	_ =	sdelay $0x7  }
0x120: {  	v6 =	vld.idx.msk [tilespmem:v5+s17+$0x0], $0xffff;
	_ =	sdelay $0x1  }
0x121: {  	s18 =	sadd.s32 $0x80, s11  }
0x122: {  	s2 =	sand.u32 $0x1C00, s18  }
0x123: {  	s2 =	sor.u32 s5, s2  }
0x124: {  	[tilespmem:s2+$0x16900] =	vst v6  }
0x125: {  	v6 =	vld.idx.msk [tilespmem:v5+s22+$0x0], $0xffff;
	_ =	sdelay $0x4  }
0x126: {  	[tilespmem:s2+$0x16980] =	vst v6  }
0x127: {  	v6 =	vld.idx.msk [tilespmem:v5+s23+$0x0], $0xffff;
	_ =	sdelay $0x4  }
0x128: {  	[tilespmem:s2+$0x16A00] =	vst v6  }
0x129: {  	v6 =	vld.idx.msk [tilespmem:v5+s24+$0x0], $0xffff;
	_ =	sdelay $0x4  }
0x12a: {  	[tilespmem:s2+$0x16A80] =	vst v6  }
0x12b: {  	v6 =	vld.idx.msk [tilespmem:v5+s25+$0x0], $0xffff;
	_ =	sdelay $0x4  }
0x12c: {  	[tilespmem:s2+$0x16B00] =	vst v6  }
0x12d: {  	v6 =	vld.idx.msk [tilespmem:v5+s26+$0x0], $0xffff;
	_ =	sdelay $0x4  }
0x12e: {  	[tilespmem:s2+$0x16B80] =	vst v6  }
0x12f: {  	v6 =	vld.idx.msk [tilespmem:v5+s28+$0x0], $0xffff;
	_ =	sdelay $0x4  }
0x130: {  	[tilespmem:s2+$0x16C00] =	vst v6  }
0x131: {  	s8 =	sadd.s32 $0x1, s8;
	v5 =	vld.idx.msk [tilespmem:v5+s29+$0x0], $0xffff  }
0x132: {  	p0 =	sne.s32 s8, $0x8  }
.Ltmp4:
0x133: {  	_ = 	snop;
	(pc) =	sbr.rel @p0 .LBB2_7-.Ltmp4, $3  }
0x134: {  	_ =	sdelay $0x1  }
0x135: {  	s19 =	sadd.s32 s9, s7;
	[tilespmem:s2+$0x16C80] =	vst v5  }
0x136: {  	[hbm4b:s19+s3] =	stream.linear.scatter [tilespmem:s31], [sflag:$0x2], $0x2000, $0x38;
	[tilespmem:$0x1A880] =	vst v63  }
0x137: {  	s6 =	sadd.s32 $0x1, s6  }
0x138: {  	_ =	swait.ge [sflag:s0], $0x2000;
	p0 =	sne.s32 s6, $0x8  }
.Ltmp5:
0x139: {  	[sflag:s0] =	ssyncset.done $0x0;
	(pc) =	sbr.rel @p0 .LBB2_6-.Ltmp5, $4  }
0x13a: {  	[sflag:s0] =	ssyncadd.s32 $0xFFFFE000  }
0x13b: {  	_ =	swait.ge [sflag:s4], $0x2000  }
0x13c: {  	[sflag:s4] =	ssyncset.done $0x0  }
0x13d: {  	[sflag:s4] =	ssyncadd.s32 $0xFFFFE000  }
0x13e: {  	s2 =	rddreg [dreg:$0xc]  }
0x13f: {  	s5 =	simm.s32 $0x80;
	s6 =	simm.s32 $0x400;
	s7 =	simm.s32 $0xC900  }
0x140: {  	[tilespmem:s7], [sflag:$0x3] =	stream.strided.gather [hbm4b:s2+s5], $0x4000, s6, s5, $0x38;
	[tilespmem:$0x1A880] =	vst v63  }
0x141: {  	_ =	swait.ge [sflag:s15], $0x4000  }
0x142: {  	[sflag:s15] =	ssyncset.done $0x0  }
0x143: {  	s21 =	simm.s32 $0x10900;
	s20 =	rddreg [dreg:$0xd];
	[sflag:s15] =	ssyncadd.s32 $0xFFFFC000  }
0x144: {  	[tilespmem:s21], [sflag:$0x3] =	stream.strided.gather [hbm4b:s20+s5], $0x4000, s6, s5, $0x38;
	[tilespmem:$0x1A880] =	vst v63  }
0x145: {  	_ =	swait.ge [sflag:s15], $0x4000  }
0x146: {  	[sflag:s15] =	ssyncset.done $0x0  }
0x147: {  	s7 =	simm.s32 $0x0;
	[sflag:s15] =	ssyncadd.s32 $0xFFFFC000  }
0x148: {  	v5 =	vld [tilespmem:s7+$0xC900];
	_ =	sdelay $0x4  }
0x149: {  	v5 =	vmul.f32 $2.880000000e+02, v5  }
0x14a: {  	s8 =	simm.s32 $0x10  }
0x14b: {  	v6 =	vld [tilespmem:s8+$0xC900];
	v5 =	vtrunc.f32 v5  }
0x14c: {  	v7 =	vcvt.f32.s32 v5;
	v5 =	vld [tilespmem:s7+$0x10900];
	_ =	sdelay $0x2  }
0x14d: {  	s6 =	simm.s32 $0x0;
	s5 =	simm.s32 $0x80;
	vm0 =	vgt.s32 v7, $0x0  }
.LBB2_14:
0x14e: {  	s2 =	sshra.s32 s5, $0x2;
	p0 =	sne.s32 s5, $0xFFC0;
	s5 =	sadd.s32 $0x40, s5;
	v8 =	vmul.f32 $2.880000000e+02, v6;
	v7 =	vnsel vm0, $0x0, v7  }
.Ltmp6:
0x14f: {  	v6 =	vld [tilespmem:s2+$0xC900];
	v7 =	vmin.u32 v7, $0x11F;
	vm0 =	vgt.s32 v5, $0x0;
	(pc) =	sbr.rel @p0 .LBB2_14-.Ltmp6, $4  }
0x150: {  	v8 =	vtrunc.f32 v8;
	v9 =	vnsel vm0, $0x0, v5;
	v5 =	vld [tilespmem:s8+$0x10900];
	v10 =	vmul.u32 $0x7, v7  }
0x151: {  	v7 =	vcvt.f32.s32 v8;
	v8 =	vmin.u32 v9, $0x6  }
0x152: {  	v8 =	vadd.s32 v8, v10  }
0x153: {  	vm0 =	vgt.s32 v7, $0x0;
	[tilespmem:s7+$0x8900] =	vst v8;
	s7 =	smov.u32 s8;
	s8 =	smov.u32 s2  }
0x154: {  	v6 =	vmul.f32 $2.880000000e+02, v6;
	_ =	sdelay $0x1  }
0x155: {  	v8 =	vld [tilespmem:s8+$0x10900];
	v6 =	vtrunc.f32 v6  }
0x156: {  	v6 =	vcvt.f32.s32 v6;
	_ =	sdelay $0x1  }
0x157: {  	v7 =	vnsel vm0, $0x0, v7;
	vm14 =	vgt.s32 v5, $0x0;
	vm1 =	vgt.s32 v6, $0x0  }
0x158: {  	v7 =	vmin.u32 v7, $0x11F;
	v5 =	vnsel vm14, $0x0, v5;
	v6 =	vnsel vm1, $0x0, v6  }
0x159: {  	v7 =	vmul.u32 $0x7, v7;
	vm15 =	vgt.s32 v8, $0x0;
	v6 =	vmin.u32 v6, $0x11F  }
0x15a: {  	v5 =	vmin.u32 v5, $0x6;
	v8 =	vnsel vm15, $0x0, v8;
	v6 =	vmul.u32 $0x7, v6  }
0x15b: {  	v5 =	vadd.s32 v5, v7;
	v7 =	vmin.u32 v8, $0x6  }
0x15c: {  	[tilespmem:s7+$0x8900] =	vst v5;
	v5 =	vadd.s32 v7, v6  }
0x15d: {  	[tilespmem:s8+$0x8900] =	vst v5  }
.LBB2_16:
0x15e: {  	s2 =	smul.u32 $0xFC00, s6;
	_ =	sdelay $0x1  }
0x15f: {  	s2 =	sshra.s32 s2, $0x2  }
0x160: {  	s21 =	sshll.u32 s6, $0x11;
	s2 =	sadd.s32 s2, s10  }
0x161: {  	[tilespmem:s17], [sflag:$0x3] =	stream.linear.gather [spmem:s2], $0x3F00, $0x38;
	[tilespmem:$0x1A880] =	vst v63  }
0x162: {  	s20 =	sadd.s32 s13, s21;
	_ =	swait.ge [sflag:s15], $0x3F00  }
0x163: {  	s8 =	simm.s32 $0x0;
	s2 =	sshrl.u32 s20, $0x3;
	[sflag:s15] =	ssyncset.done $0x0  }
0x164: {  	s21 =	simm.s32 $0x0;
	s7 =	sadd.s32 s1, s2;
	[sflag:s15] =	ssyncadd.s32 $0xFFFFC100  }
.LBB2_17:
0x165: {  	p0 =	seq.s32 s8, $0x0;
	s9 =	sshll.u32 s8, $0xB  }
0x166: {  	s2 =	simm.s32 @!p0 $0x1;
	s5 =	sand.u32 $0x3FFFF800, s9  }
0x167: {  	s14 =	sand.u32 $0x380, s21;
	_ =	swait.ge @!p0 [sflag:s2], $0x2000;
	s12 =	sadd.s32 $0x8900, s5  }
0x168: {  	s11 =	sand.u32 $0x70, s21;
	[sflag:s2] =	ssyncset.done @!p0 $0x0;
	s5 =	sadd.s32 s14, s12  }
0x169: {  	[sflag:s2] =	ssyncadd.s32 @!p0 $0xFFFFE000;
	s18 =	sadd.s32 s11, s5  }
0x16a: {  	v5 =	vld [tilespmem:s18+$0x0];
	_ =	sdelay $0x7  }
0x16b: {  	v6 =	vld.idx.msk [tilespmem:v5+s17+$0x0], $0xffff;
	_ =	sdelay $0x2  }
0x16c: {  	s19 =	sand.u32 $0x1C00, s21  }
0x16d: {  	s2 =	sor.u32 s11, s19  }
0x16e: {  	[tilespmem:s2+$0x14900] =	vst v6  }
0x16f: {  	v6 =	vld.idx.msk [tilespmem:v5+s22+$0x0], $0xffff;
	_ =	sdelay $0x3  }
0x170: {  	s2 =	sadd.s32 $0x14900, s2  }
0x171: {  	[tilespmem:s2+$0x80] =	vst v6  }
0x172: {  	v6 =	vld.idx.msk [tilespmem:v5+s23+$0x0], $0xffff;
	_ =	sdelay $0x4  }
0x173: {  	[tilespmem:s2+$0x100] =	vst v6  }
0x174: {  	v6 =	vld.idx.msk [tilespmem:v5+s24+$0x0], $0xffff;
	_ =	sdelay $0x4  }
0x175: {  	[tilespmem:s2+$0x180] =	vst v6  }
0x176: {  	v6 =	vld.idx.msk [tilespmem:v5+s25+$0x0], $0xffff;
	_ =	sdelay $0x4  }
0x177: {  	[tilespmem:s2+$0x200] =	vst v6  }
0x178: {  	v6 =	vld.idx.msk [tilespmem:v5+s26+$0x0], $0xffff;
	_ =	sdelay $0x4  }
0x179: {  	[tilespmem:s2+$0x280] =	vst v6  }
0x17a: {  	v6 =	vld.idx.msk [tilespmem:v5+s28+$0x0], $0xffff;
	_ =	sdelay $0x4  }
0x17b: {  	[tilespmem:s2+$0x300] =	vst v6  }
0x17c: {  	v5 =	vld.idx.msk [tilespmem:v5+s29+$0x0], $0xffff;
	_ =	sdelay $0x1  }
0x17d: {  	s14 =	simm.s32 $0x0;
	s11 =	simm.s32 $0x10;
	s19 =	sor.u32 s21, s21  }
0x17e: {  	s5 =	sand.u32 $0x70, s11;
	s18 =	simm.s32 $0x20;
	s2 =	sand.u32 $0x380, s11  }
.LBB2_18:
0x17f: {  	p1 =	sne.s32 s18, $0x3F0;
	s2 =	sadd.s32 s2, s12;
	s19 =	sor.u32 $0x380, s19  }
0x180: {  	s2 =	sadd.s32 s5, s2;
	[tilespmem:s19+$0x14900] =	vst v5;
	s19 =	smov.u32 s11;
	s11 =	smov.u32 s18  }
0x181: {  	v5 =	vld [tilespmem:s2+$0x0];
	_ =	sdelay $0x7  }
0x182: {  	v6 =	vld.idx.msk [tilespmem:v5+s17+$0x0], $0xffff;
	_ =	sdelay $0x2  }
0x183: {  	s14 =	sadd.s32 $0x80, s14  }
0x184: {  	s2 =	sand.u32 $0x1C00, s14  }
0x185: {  	s2 =	sor.u32 s5, s2  }
0x186: {  	[tilespmem:s2+$0x14900] =	vst v6  }
0x187: {  	v6 =	vld.idx.msk [tilespmem:v5+s22+$0x0], $0xffff;
	_ =	sdelay $0x4  }
0x188: {  	s2 =	sadd.s32 $0x14900, s2  }
0x189: {  	[tilespmem:s2+$0x80] =	vst v6  }
0x18a: {  	v6 =	vld.idx.msk [tilespmem:v5+s23+$0x0], $0xffff;
	_ =	sdelay $0x5  }
0x18b: {  	[tilespmem:s2+$0x100] =	vst v6  }
0x18c: {  	v6 =	vld.idx.msk [tilespmem:v5+s24+$0x0], $0xffff;
	_ =	sdelay $0x5  }
0x18d: {  	[tilespmem:s2+$0x180] =	vst v6  }
0x18e: {  	v6 =	vld.idx.msk [tilespmem:v5+s25+$0x0], $0xffff;
	_ =	sdelay $0x5  }
0x18f: {  	[tilespmem:s2+$0x200] =	vst v6  }
0x190: {  	v6 =	vld.idx.msk [tilespmem:v5+s26+$0x0], $0xffff;
	_ =	sdelay $0x5  }
0x191: {  	[tilespmem:s2+$0x280] =	vst v6  }
0x192: {  	v6 =	vld.idx.msk [tilespmem:v5+s28+$0x0], $0xffff;
	_ =	sdelay $0x5  }
0x193: {  	[tilespmem:s2+$0x300] =	vst v6  }
.Ltmp7:
0x194: {  	v5 =	vld.idx.msk [tilespmem:v5+s29+$0x0], $0xffff;
	(pc) =	sbr.rel @p1 .LBB2_18-.Ltmp7, $3  }
0x195: {  	_ =	sdelay $0x1  }
0x196: {  	s5 =	sand.u32 $0x70, s18  }
0x197: {  	s19 =	sor.u32 s14, s19;
	s18 =	sadd.s32 $0x10, s18;
	s2 =	sand.u32 $0x380, s11  }
0x198: {  	s2 =	sadd.s32 s2, s12;
	s19 =	sor.u32 $0x380, s19  }
0x199: {  	s2 =	sadd.s32 s5, s2;
	[tilespmem:s19+$0x14900] =	vst v5  }
0x19a: {  	v5 =	vld [tilespmem:s2+$0x0];
	_ =	sdelay $0x7  }
0x19b: {  	v6 =	vld.idx.msk [tilespmem:v5+s17+$0x0], $0xffff;
	_ =	sdelay $0x1  }
0x19c: {  	s18 =	sadd.s32 $0x80, s14  }
0x19d: {  	s19 =	sand.u32 $0x1C00, s18  }
0x19e: {  	s12 =	sor.u32 s5, s19  }
0x19f: {  	[tilespmem:s12+$0x14900] =	vst v6  }
0x1a0: {  	v6 =	vld.idx.msk [tilespmem:v5+s22+$0x0], $0xffff;
	_ =	sdelay $0x3  }
0x1a1: {  	s5 =	sadd.s32 $0x14900, s12  }
0x1a2: {  	[tilespmem:s5+$0x80] =	vst v6  }
0x1a3: {  	v6 =	vld.idx.msk [tilespmem:v5+s23+$0x0], $0xffff;
	_ =	sdelay $0x4  }
0x1a4: {  	[tilespmem:s5+$0x100] =	vst v6  }
0x1a5: {  	v6 =	vld.idx.msk [tilespmem:v5+s24+$0x0], $0xffff;
	_ =	sdelay $0x4  }
0x1a6: {  	[tilespmem:s5+$0x180] =	vst v6  }
0x1a7: {  	v6 =	vld.idx.msk [tilespmem:v5+s25+$0x0], $0xffff;
	_ =	sdelay $0x4  }
0x1a8: {  	[tilespmem:s5+$0x200] =	vst v6  }
0x1a9: {  	v6 =	vld.idx.msk [tilespmem:v5+s26+$0x0], $0xffff;
	_ =	sdelay $0x4  }
0x1aa: {  	[tilespmem:s5+$0x280] =	vst v6  }
0x1ab: {  	v6 =	vld.idx.msk [tilespmem:v5+s28+$0x0], $0xffff;
	_ =	sdelay $0x4  }
0x1ac: {  	[tilespmem:s5+$0x300] =	vst v6  }
0x1ad: {  	v5 =	vld.idx.msk [tilespmem:v5+s29+$0x0], $0xffff;
	_ =	sdelay $0x1  }
0x1ae: {  	s14 =	sshll.u32 s8, $0xE  }
0x1af: {  	s2 =	sor.u32 s18, s11;
	s5 =	sadd.s32 s20, s14  }
0x1b0: {  	s2 =	sor.u32 $0x380, s2;
	s5 =	sshrl.u32 s5, $0x3  }
0x1b1: {  	s11 =	simm.s32 $0x0;
	s18 =	sadd.s32 s1, s5;
	[tilespmem:s2+$0x14900] =	vst v5;
	s2 =	simm.s32 @!p0 $0x2  }
0x1b2: {  	[hbm4b:s18+s3] =	stream.linear.scatter [tilespmem:s30], [sflag:$0x1], $0x2000, $0x38;
	[tilespmem:$0x1A880] =	vst v63  }
0x1b3: {  	s19 =	sand.u32 $0x380, s11;
	s12 =	sadd.s32 $0x8D00, s9;
	_ =	swait.ge @!p0 [sflag:s2], $0x2000  }
0x1b4: {  	s14 =	sand.u32 $0x70, s11;
	s5 =	sadd.s32 s19, s12;
	[sflag:s2] =	ssyncset.done @!p0 $0x0  }
0x1b5: {  	s18 =	sadd.s32 s14, s5;
	[sflag:s2] =	ssyncadd.s32 @!p0 $0xFFFFE000  }
0x1b6: {  	v5 =	vld [tilespmem:s18+$0x0];
	_ =	sdelay $0x7  }
0x1b7: {  	v6 =	vld.idx.msk [tilespmem:v5+s17+$0x0], $0xffff;
	_ =	sdelay $0x2  }
0x1b8: {  	s19 =	sand.u32 $0x1C00, s11  }
0x1b9: {  	s14 =	sor.u32 s14, s19  }
0x1ba: {  	[tilespmem:s14+$0x16900] =	vst v6  }
0x1bb: {  	v6 =	vld.idx.msk [tilespmem:v5+s22+$0x0], $0xffff;
	_ =	sdelay $0x4  }
0x1bc: {  	[tilespmem:s14+$0x16980] =	vst v6  }
0x1bd: {  	v6 =	vld.idx.msk [tilespmem:v5+s23+$0x0], $0xffff;
	_ =	sdelay $0x4  }
0x1be: {  	[tilespmem:s14+$0x16A00] =	vst v6  }
0x1bf: {  	v6 =	vld.idx.msk [tilespmem:v5+s24+$0x0], $0xffff;
	_ =	sdelay $0x4  }
0x1c0: {  	[tilespmem:s14+$0x16A80] =	vst v6  }
0x1c1: {  	v6 =	vld.idx.msk [tilespmem:v5+s25+$0x0], $0xffff;
	_ =	sdelay $0x4  }
0x1c2: {  	[tilespmem:s14+$0x16B00] =	vst v6  }
0x1c3: {  	v6 =	vld.idx.msk [tilespmem:v5+s26+$0x0], $0xffff;
	_ =	sdelay $0x4  }
0x1c4: {  	[tilespmem:s14+$0x16B80] =	vst v6  }
0x1c5: {  	v6 =	vld.idx.msk [tilespmem:v5+s28+$0x0], $0xffff;
	_ =	sdelay $0x4  }
0x1c6: {  	[tilespmem:s14+$0x16C00] =	vst v6  }
0x1c7: {  	v5 =	vld.idx.msk [tilespmem:v5+s29+$0x0], $0xffff;
	_ =	sdelay $0x1  }
0x1c8: {  	s18 =	simm.s32 $0x10  }
0x1c9: {  	s9 =	sor.u32 $0x400, s9;
	s19 =	simm.s32 $0x20;
	s2 =	sand.u32 $0x380, s18  }
.LBB2_20:
0x1ca: {  	p0 =	sne.s32 s19, $0x3F0;
	s5 =	sand.u32 $0x70, s18;
	s2 =	sadd.s32 s2, s12  }
0x1cb: {  	s18 =	smov.u32 s19;
	s2 =	sadd.s32 s5, s2;
	[tilespmem:s14+$0x16C80] =	vst v5  }
0x1cc: {  	v5 =	vld [tilespmem:s2+$0x0];
	_ =	sdelay $0x7  }
0x1cd: {  	v6 =	vld.idx.msk [tilespmem:v5+s17+$0x0], $0xffff;
	_ =	sdelay $0x2  }
0x1ce: {  	s11 =	sadd.s32 $0x80, s11  }
0x1cf: {  	s2 =	sand.u32 $0x1C00, s11  }
0x1d0: {  	s14 =	sor.u32 s5, s2  }
0x1d1: {  	[tilespmem:s14+$0x16900] =	vst v6  }
0x1d2: {  	v6 =	vld.idx.msk [tilespmem:v5+s22+$0x0], $0xffff;
	_ =	sdelay $0x5  }
0x1d3: {  	[tilespmem:s14+$0x16980] =	vst v6  }
0x1d4: {  	v6 =	vld.idx.msk [tilespmem:v5+s23+$0x0], $0xffff;
	_ =	sdelay $0x5  }
0x1d5: {  	[tilespmem:s14+$0x16A00] =	vst v6  }
0x1d6: {  	v6 =	vld.idx.msk [tilespmem:v5+s24+$0x0], $0xffff;
	_ =	sdelay $0x5  }
0x1d7: {  	[tilespmem:s14+$0x16A80] =	vst v6  }
0x1d8: {  	v6 =	vld.idx.msk [tilespmem:v5+s25+$0x0], $0xffff;
	_ =	sdelay $0x5  }
0x1d9: {  	[tilespmem:s14+$0x16B00] =	vst v6  }
0x1da: {  	v6 =	vld.idx.msk [tilespmem:v5+s26+$0x0], $0xffff;
	_ =	sdelay $0x5  }
0x1db: {  	[tilespmem:s14+$0x16B80] =	vst v6  }
0x1dc: {  	v6 =	vld.idx.msk [tilespmem:v5+s28+$0x0], $0xffff;
	_ =	sdelay $0x5  }
0x1dd: {  	[tilespmem:s14+$0x16C00] =	vst v6  }
.Ltmp8:
0x1de: {  	v5 =	vld.idx.msk [tilespmem:v5+s29+$0x0], $0xffff;
	(pc) =	sbr.rel @p0 .LBB2_20-.Ltmp8, $2  }
0x1df: {  	_ =	sdelay $0x2  }
0x1e0: {  	s19 =	sadd.s32 $0x10, s19;
	s2 =	sand.u32 $0x380, s18  }
0x1e1: {  	s5 =	sand.u32 $0x70, s18;
	s2 =	sadd.s32 s2, s12  }
0x1e2: {  	[tilespmem:s14+$0x16C80] =	vst v5;
	s2 =	sadd.s32 s5, s2  }
0x1e3: {  	v5 =	vld [tilespmem:s2+$0x0];
	_ =	sdelay $0x7  }
0x1e4: {  	v6 =	vld.idx.msk [tilespmem:v5+s17+$0x0], $0xffff;
	_ =	sdelay $0x1  }
0x1e5: {  	s18 =	sadd.s32 $0x80, s11  }
0x1e6: {  	s2 =	sand.u32 $0x1C00, s18  }
0x1e7: {  	s2 =	sor.u32 s5, s2  }
0x1e8: {  	[tilespmem:s2+$0x16900] =	vst v6  }
0x1e9: {  	v6 =	vld.idx.msk [tilespmem:v5+s22+$0x0], $0xffff;
	_ =	sdelay $0x4  }
0x1ea: {  	[tilespmem:s2+$0x16980] =	vst v6  }
0x1eb: {  	v6 =	vld.idx.msk [tilespmem:v5+s23+$0x0], $0xffff;
	_ =	sdelay $0x4  }
0x1ec: {  	[tilespmem:s2+$0x16A00] =	vst v6  }
0x1ed: {  	v6 =	vld.idx.msk [tilespmem:v5+s24+$0x0], $0xffff;
	_ =	sdelay $0x4  }
0x1ee: {  	[tilespmem:s2+$0x16A80] =	vst v6  }
0x1ef: {  	v6 =	vld.idx.msk [tilespmem:v5+s25+$0x0], $0xffff;
	_ =	sdelay $0x4  }
0x1f0: {  	[tilespmem:s2+$0x16B00] =	vst v6  }
0x1f1: {  	v6 =	vld.idx.msk [tilespmem:v5+s26+$0x0], $0xffff;
	_ =	sdelay $0x4  }
0x1f2: {  	[tilespmem:s2+$0x16B80] =	vst v6  }
0x1f3: {  	v6 =	vld.idx.msk [tilespmem:v5+s28+$0x0], $0xffff;
	_ =	sdelay $0x4  }
0x1f4: {  	[tilespmem:s2+$0x16C00] =	vst v6  }
0x1f5: {  	s8 =	sadd.s32 $0x1, s8;
	v5 =	vld.idx.msk [tilespmem:v5+s29+$0x0], $0xffff  }
0x1f6: {  	p0 =	sne.s32 s8, $0x8  }
.Ltmp9:
0x1f7: {  	_ = 	snop;
	(pc) =	sbr.rel @p0 .LBB2_17-.Ltmp9, $3  }
0x1f8: {  	_ =	sdelay $0x1  }
0x1f9: {  	s19 =	sadd.s32 s9, s7;
	[tilespmem:s2+$0x16C80] =	vst v5  }
0x1fa: {  	[hbm4b:s19+s3] =	stream.linear.scatter [tilespmem:s31], [sflag:$0x2], $0x2000, $0x38;
	[tilespmem:$0x1A880] =	vst v63  }
0x1fb: {  	s6 =	sadd.s32 $0x1, s6  }
0x1fc: {  	_ =	swait.ge [sflag:s0], $0x2000;
	p0 =	sne.s32 s6, $0x8  }
.Ltmp10:
0x1fd: {  	[sflag:s0] =	ssyncset.done $0x0;
	(pc) =	sbr.rel @p0 .LBB2_16-.Ltmp10, $4  }
0x1fe: {  	[sflag:s0] =	ssyncadd.s32 $0xFFFFE000  }
0x1ff: {  	_ =	swait.ge [sflag:s4], $0x2000  }
0x200: {  	[sflag:s4] =	ssyncset.done $0x0  }
0x201: {  	[sflag:s4] =	ssyncadd.s32 $0xFFFFE000  }
0x202: {  	s5 =	rddreg [dreg:$0xf]  }
0x203: {  	s2 =	rddreg [dreg:$0xe];
	s5 =	sadd.s32 $0x1, s5  }
0x204: {  	p0 =	sne.s32 s5, s2  }
.Ltmp11:
0x205: {  	_ = 	snop;
	(pc) =	sbr.rel @p0 .LBB2_1-.Ltmp11, $1  }
0x206: {  	_ =	sdelay $0x3  }
0x207: {  	_ =	sfence.sel $0x180000  }
0x208: {  	[bflag:$0x0] =	sbarrier.arrive $0xFFFF  }
0x209: {  	_ =	strace $0x90000047  }
0x20a: {  	s0 =	stileid.u32;
	[bflag:$0x2] =	sbarrier.arrive $0xFFFF  }
0x20b: {  	p0 =	sne.s32 s0, $0x0;
	s0 =	rddreg [dreg:$0x5]  }
0x20c: {  	s0 =	sadd.s32 @!p0 $0x100000, s0  }
0x20d: {  	[sflag:s0] =	ssyncadd.tile.s32 @!p0 $0x1;
	_ =	shalt  }
.Lfunc_end2:
_tile_overlayer_lowered:
.L_overlay_start_2:
0x20e: {  	(tag) =	ssettag $0x2  }
0x20f: {  	s0 =	rddreg [dreg:$0x0];
	s2 =	stileid.u32  }
0x210: {  	s1 =	rddreg [dreg:$0x1];
	p0 =	sne.s32 s2, $0x0  }
0x211: {  	s3 =	rddreg [dreg:$0x2];
	[bflag:$0x3] =	sbarrier.arrive $0xFFFF;
	s2 =	simm.s32 @!p0 $0x1C03  }
0x212: {  	[timem:s3], [sflag:s2] =	dma.local @!p0 [hbm:s0], s1  }
0x213: {  	s0 =	simm.s32 @!p0 $0x3  }
0x214: {  	_ =	swait.ge @!p0 [sflag:s0], s1  }
0x215: {  	s1 =	ssub.s32 @!p0 $0x0, s1;
	[sflag:s0] =	ssyncset.done @!p0 $0x0  }
0x216: {  	[sflag:s0] =	ssyncadd.s32 @!p0 s1  }
0x217: {  	[bflag:$0x3] =	sbarrier.arrive $0xFFFF  }
0x218: {  	_ =	shalt  }

</sc_bundles>
